<compile_context>
chip_gen: v7x
topology: tpu7x:2x2x1
jax: 0.10.2.dev20260603
libtpu: 0.0.44.dev20260713+nightly
codegen_flags: <defaults>
</compile_context>

<pallas_src>
import functools

import jax
import jax.numpy as jnp
from jax import lax
from jax.experimental import pallas as pl
from jax.experimental.pallas import tpu as pltpu
from jax.experimental.pallas import tpu_sc as plsc

N = 10000
D = 128
E = 320000

NC = 2
NS = 16
NW = NC * NS
CH = 128
NCH = 79
EPW = NCH * CH
EP = NW * EPW
NR = 10112
RPT = NR // NS

_mesh = plsc.VectorSubcoreMesh(core_axis_name="c", subcore_axis_name="s")


def _zero_vmem(buf, rows, width):
    per_row = width // 16

    def body(i, _):
        r = i // per_row
        c = (i % per_row) * 16
        buf[r, pl.ds(c, 16)] = jnp.zeros((16,), jnp.float32)
        return 0

    lax.fori_loop(0, rows * per_row, body, 0)


@functools.partial(
    pl.kernel,
    out_type=jax.ShapeDtypeStruct((NC, NR, 16), jnp.float32),
    mesh=_mesh,
    scratch_types=[
        pltpu.VMEM((NCH, CH), jnp.int32),
        pltpu.VMEM((CH, 16), jnp.float32),
        pltpu.VMEM((CH, 16), jnp.float32),
        pltpu.VMEM_SHARED((NR, 16), jnp.float32),
    ],
)
def _deg_kernel(dst_hbm, out_hbm, didx, ones, zeros, acc):
    c = lax.axis_index("c")
    s = lax.axis_index("s")
    wid = c * NS + s

    def fill(i, _):
        ones[i, pl.ds(0, 16)] = jnp.full((16,), 1.0, jnp.float32)
        return 0

    lax.fori_loop(0, CH, fill, 0)
    _zero_vmem(zeros, CH, 16)

    base = s * RPT
    for k in range(4):
        pltpu.sync_copy(zeros, acc.at[pl.ds(base + k * CH, CH)])
    pltpu.sync_copy(zeros.at[pl.ds(0, RPT - 4 * CH)],
                    acc.at[pl.ds(base + 4 * CH, RPT - 4 * CH)])
    plsc.subcore_barrier()

    pltpu.sync_copy(dst_hbm.at[wid], didx)

    def step(j, _):
        pltpu.sync_copy(ones, acc.at[didx.at[j]], add=True)
        return 0

    lax.fori_loop(0, NCH, step, 0)
    plsc.subcore_barrier()

    pltpu.sync_copy(acc.at[pl.ds(base, RPT)],
                    out_hbm.at[c].at[pl.ds(base, RPT)])


@functools.partial(
    pl.kernel,
    out_type=jax.ShapeDtypeStruct((NC, NR, D), jnp.float32),
    mesh=_mesh,
    scratch_types=[
        pltpu.VMEM((NCH, CH), jnp.int32),
        pltpu.VMEM((NCH, CH), jnp.int32),
        pltpu.VMEM((CH, D), jnp.float32),
        pltpu.VMEM_SHARED((NR, D), jnp.float32),
        pltpu.SemaphoreType.DMA,
    ],
)
def _hop_kernel(g_hbm, src_hbm, dst_hbm, out_hbm, sidx, didx, rows, acc, sem):
    c = lax.axis_index("c")
    s = lax.axis_index("s")
    wid = c * NS + s

    _zero_vmem(rows, CH, D)
    base = s * RPT
    for k in range(4):
        pltpu.sync_copy(rows, acc.at[pl.ds(base + k * CH, CH)])
    pltpu.sync_copy(rows.at[pl.ds(0, RPT - 4 * CH)],
                    acc.at[pl.ds(base + 4 * CH, RPT - 4 * CH)])
    plsc.subcore_barrier()

    pltpu.sync_copy(src_hbm.at[wid], sidx)
    pltpu.sync_copy(dst_hbm.at[wid], didx)

    def step(j, _):
        pltpu.async_copy(g_hbm.at[sidx.at[j]], rows, sem).wait()
        pltpu.sync_copy(rows, acc.at[didx.at[j]], add=True)
        return 0

    lax.fori_loop(0, NCH, step, 0)
    plsc.subcore_barrier()

    pltpu.sync_copy(acc.at[pl.ds(base, RPT)],
                    out_hbm.at[c].at[pl.ds(base, RPT)])


def _deg_from_acc(degacc_ref):
    da = degacc_ref[...]
    return da[0, :, 0] + da[1, :, 0] + 1.0


def _tc_g0_body(degacc_ref, x_ref, g0_ref):
    deg = _deg_from_acc(degacc_ref)
    dis = lax.rsqrt(deg)[:N]
    g0_ref[...] = x_ref[...] * dis[:, None]


def _tc_g1_body(degacc_ref, acc_ref, g0_ref, g1_ref):
    deg = _deg_from_acc(degacc_ref)
    inv = (1.0 / deg)[:N]
    h = acc_ref[0, pl.ds(0, N), :] + acc_ref[1, pl.ds(0, N), :] + g0_ref[...]
    g1_ref[...] = h * inv[:, None]


def _tc_out_body(degacc_ref, acc_ref, g1_ref, w_ref, b_ref, out_ref):
    deg = _deg_from_acc(degacc_ref)
    dis = lax.rsqrt(deg)[:N]
    h = (acc_ref[0, pl.ds(0, N), :] + acc_ref[1, pl.ds(0, N), :]
         + g1_ref[...]) * dis[:, None]
    out_ref[...] = (jnp.dot(h, w_ref[...], preferred_element_type=jnp.float32)
                    + b_ref[...][None, :])


def kernel(x, edge_index, W, b):
    src = edge_index[0]
    dst = edge_index[1]
    pad = EP - E
    src_p = jnp.concatenate(
        [src, jnp.zeros((pad,), jnp.int32)]).reshape(NW, NCH, CH)
    dst_p = jnp.concatenate(
        [dst, jnp.full((pad,), N, jnp.int32)]).reshape(NW, NCH, CH)

    degacc = _deg_kernel(dst_p)

    g0 = pl.pallas_call(
        _tc_g0_body,
        out_shape=jax.ShapeDtypeStruct((N, D), jnp.float32),
    )(degacc, x)

    acc1 = _hop_kernel(g0, src_p, dst_p)

    g1 = pl.pallas_call(
        _tc_g1_body,
        out_shape=jax.ShapeDtypeStruct((N, D), jnp.float32),
    )(degacc, acc1, g0)

    acc2 = _hop_kernel(g1, src_p, dst_p)

    out = pl.pallas_call(
        _tc_out_body,
        out_shape=jax.ShapeDtypeStruct((N, D), jnp.float32),
    )(degacc, acc2, g1, W, b)
    return out

# --- scband reference (transcript-rebuilt; emitter-appended) ---
"""Pipeline reference for scband-sgc-7129645711833 (READ-ONLY COPY).

The authoritative reference and input builder live on the scoring server;
editing this copy changes nothing except your own understanding.
"""

import jax, jax.numpy as jnp
import numpy as np

N = 10000
E = 320000
D_IN = 128
D_OUT = 128
K_HOPS = 2


def setup_inputs(seed: int = 0) -> dict:
    key = jax.random.key(seed)
    k1, k2, k3, k4 = jax.random.split(key, 4)
    x = jax.random.normal(k1, (N, D_IN), dtype=jnp.float32)
    edge_index = jax.random.randint(k2, (2, E), 0, N, dtype=jnp.int32)
    # SGConv linear layer parameters (Glorot-style init)
    limit = float(np.sqrt(6.0 / (D_IN + D_OUT)))
    W = jax.random.uniform(k3, (D_IN, D_OUT), minval=-limit, maxval=limit, dtype=jnp.float32)
    b = jnp.zeros((D_OUT,), dtype=jnp.float32)
    return {"x": x, "edge_index": edge_index, "W": W, "b": b}


def reference(x, edge_index, W, b):
    # SGConv: x' = (D^{-1/2} (A + I) D^{-1/2})^K x W + b  (gcn_norm with self-loops)
    src = edge_index[0]
    dst = edge_index[1]
    loop = jnp.arange(N, dtype=src.dtype)
    src2 = jnp.concatenate([src, loop])
    dst2 = jnp.concatenate([dst, loop])
    ones = jnp.ones(src2.shape[0], dtype=x.dtype)
    deg = jax.ops.segment_sum(ones, dst2, num_segments=N)
    deg_inv_sqrt = jnp.where(deg > 0, 1.0 / jnp.sqrt(deg), 0.0)
    norm = deg_inv_sqrt[src2] * deg_inv_sqrt[dst2]
    h = x
    for _ in range(K_HOPS):
        msgs = norm[:, None] * jnp.take(h, src2, axis=0)
        h = jax.ops.segment_sum(msgs, dst2, num_segments=N)
    return h @ W + b

if __name__ == "__main__":
    import jax
    _d = setup_inputs()
    print(jax.jit(kernel)(*tuple(_d.values())))

</pallas_src>

<mosaic_0001>
#map = affine_map<(d0, d1) -> (0, 0)>
#map1 = affine_map<(d0, d1) -> (0, 0, 0)>
module attributes {stable_mosaic.version = 14 : i64} {
  func.func @_hop_kernel(%arg0: i32, %arg1: i32, %arg2: memref<10000x128xf32, #tpu.memory_space<hbm>>, %arg3: memref<32x79x128xi32, #tpu.memory_space<hbm>>, %arg4: memref<32x79x128xi32, #tpu.memory_space<hbm>>, %arg5: memref<2x10112x128xf32, #tpu.memory_space<hbm>>, %arg6: memref<79x128xi32, #tpu.memory_space<vmem>>, %arg7: memref<79x128xi32, #tpu.memory_space<vmem>>, %arg8: memref<128x128xf32, #tpu.memory_space<vmem>>, %arg9: memref<10112x128xf32, #tpu.memory_space<vmem_shared>>, %arg10: memref<!tpu.dma_semaphore, #tpu.memory_space<semaphore_mem>>) attributes {dimension_semantics = [#tpu.dimension_semantics<core_parallel>, #tpu.dimension_semantics<subcore_parallel>], iteration_bounds = array<i64: 2, 16>, scalar_prefetch = 0 : i64, scratch_operands = 5 : i64, tpu.core_type = #tpu.core_type<sc_vector_subcore>, window_params = [{transform_indices = #map}, {transform_indices = #map1}, {transform_indices = #map1}, {transform_indices = #map1}]} {
    %mul3A = arith.constant 16 : i32
    %mul3A_0 = arith.muli %arg0, %mul3A : i32
    %add3A = arith.addi %mul3A_0, %arg1 : i32
    %scan3A = arith.constant 0 : i32
    %scan3A_1 = arith.constant 0 : i32
    %scan3A_2 = arith.constant 1024 : i32
    %scan3A_3 = arith.addi %scan3A_1, %scan3A_2 : i32
    %scan3A_4 = arith.constant 1 : i32
    %scan3A_5 = scf.for %scan3A_27 = %scan3A_1 to %scan3A_3 step %scan3A_4 iter_args(%scan3A_28 = %scan3A) -> (i32)  : i32 {
      %jit3A = arith.constant 8 : i32
      %div3A = arith.divsi %scan3A_27, %jit3A : i32
      %sign3A = arith.constant 0 : i32
      %sign3A_29 = arith.cmpi sgt, %scan3A_27, %sign3A : i32
      %sign3A_30 = arith.extui %sign3A_29 : i1 to i32
      %sign3A_31 = arith.constant 0 : i32
      %sign3A_32 = arith.cmpi slt, %scan3A_27, %sign3A_31 : i32
      %sign3A_33 = arith.extui %sign3A_32 : i1 to i32
      %sign3A_34 = arith.subi %sign3A_30, %sign3A_33 : i32
      %sign3A_35 = arith.constant 0 : i32
      %sign3A_36 = arith.cmpi sgt, %jit3A, %sign3A_35 : i32
      %sign3A_37 = arith.extui %sign3A_36 : i1 to i32
      %sign3A_38 = arith.constant 0 : i32
      %sign3A_39 = arith.cmpi slt, %jit3A, %sign3A_38 : i32
      %sign3A_40 = arith.extui %sign3A_39 : i1 to i32
      %sign3A_41 = arith.subi %sign3A_37, %sign3A_40 : i32
      %ne3A = arith.cmpi ne, %sign3A_34, %sign3A_41 : i32
      %rem3A = arith.remsi %scan3A_27, %jit3A : i32
      %ne3A_42 = arith.constant 0 : i32
      %ne3A_43 = arith.cmpi ne, %rem3A, %ne3A_42 : i32
      %and3A = arith.andi %ne3A, %ne3A_43 : i1
      %sub3A = arith.constant 1 : i32
      %sub3A_44 = arith.subi %div3A, %sub3A : i32
      %select_n3A = arith.select %and3A, %sub3A_44, %div3A : i32
      %jit3A_45 = arith.constant 8 : i32
      %eq3A = arith.constant 0 : i32
      %eq3A_46 = arith.cmpi eq, %jit3A_45, %eq3A : i32
      %jit3A_47 = arith.constant 1 : i32
      %select_n3A_48 = arith.select %eq3A_46, %jit3A_47, %jit3A_45 : i32
      %rem3A_49 = arith.remsi %scan3A_27, %select_n3A_48 : i32
      %ne3A_50 = arith.constant 0 : i32
      %ne3A_51 = arith.cmpi ne, %rem3A_49, %ne3A_50 : i32
      %lt3A = arith.constant 0 : i32
      %lt3A_52 = arith.cmpi slt, %rem3A_49, %lt3A : i32
      %lt3A_53 = arith.constant 0 : i32
      %lt3A_54 = arith.cmpi slt, %select_n3A_48, %lt3A_53 : i32
      %ne3A_55 = arith.xori %lt3A_52, %lt3A_54 : i1
      %and3A_56 = arith.andi %ne3A_55, %ne3A_51 : i1
      %add3A_57 = arith.addi %rem3A_49, %select_n3A_48 : i32
      %select_n3A_58 = arith.select %and3A_56, %add3A_57, %rem3A_49 : i32
      %mul3A_59 = arith.constant 16 : i32
      %mul3A_60 = arith.muli %select_n3A_58, %mul3A_59 : i32
      %broadcast_in_dim3A = arith.constant 0.000000e+00 : f32
      %broadcast_in_dim3A_61 = vector.broadcast %broadcast_in_dim3A : f32 to vector<16xf32>
      %swap3A = arith.index_cast %select_n3A : i32 to index
      %swap3A_62 = arith.index_cast %mul3A_60 : i32 to index
      %swap3A_63 = tpu.vector_load %arg8[%swap3A, %swap3A_62] {strides = array<i32>} : memref<128x128xf32, #tpu.memory_space<vmem>>, vector<1x16xf32>,
      %swap3A_64 = vector.shape_cast %swap3A_63 : vector<1x16xf32> to vector<16xf32>
      %swap3A_65 = vector.shape_cast %broadcast_in_dim3A_61 : vector<16xf32> to vector<1x16xf32>
      tpu.vector_store %arg8[%swap3A, %swap3A_62], %swap3A_65 {strides = array<i32>} : memref<128x128xf32, #tpu.memory_space<vmem>>, vector<1x16xf32>,
      %scan3A_66 = arith.constant 0 : i32
      scf.yield %scan3A_66 : i32
    }
    %scan3A_6 = arith.constant 1024 : i32
    %mul3A_7 = arith.constant 632 : i32
    %mul3A_8 = arith.muli %arg1, %mul3A_7 : i32
    %add3A_9 = arith.constant 0 : i32
    %add3A_10 = arith.addi %mul3A_8, %add3A_9 : i32
    "tpu.region"() ({
      %run_scoped3A = tpu.sem_alloc : memref<!tpu.dma_semaphore, #tpu.memory_space<semaphore_mem>>
      %dma_start3A = arith.constant 0 : i32
      %dma_start3A_27 = tpu.memref_slice %arg9[%add3A_10, %dma_start3A] : memref<10112x128xf32, #tpu.memory_space<vmem_shared>> -> memref<128x128xf32, #tpu.memory_space<vmem_shared>>
      %dma_start3A_28 = arith.constant 0 : i32
      %dma_start3A_29 = tpu.memref_slice %arg9[%add3A_10, %dma_start3A_28] : memref<10112x128xf32, #tpu.memory_space<vmem_shared>> -> memref<128x128xf32, #tpu.memory_space<vmem_shared>>
      tpu.enqueue_dma source(%arg8 : memref<128x128xf32, #tpu.memory_space<vmem>>) target(%dma_start3A_29 : memref<128x128xf32, #tpu.memory_space<vmem_shared>>) target_semaphore(%run_scoped3A : memref<!tpu.dma_semaphore, #tpu.memory_space<semaphore_mem>>)
      %dma_wait3A = arith.constant 0 : i32
      %dma_wait3A_30 = tpu.memref_slice %arg9[%add3A_10, %dma_wait3A] : memref<10112x128xf32, #tpu.memory_space<vmem_shared>> -> memref<128x128xf32, #tpu.memory_space<vmem_shared>>
      %dma_wait3A_31 = arith.constant 0 : i32
      %dma_wait3A_32 = tpu.memref_slice %arg9[%add3A_10, %dma_wait3A_31] : memref<10112x128xf32, #tpu.memory_space<vmem_shared>> -> memref<128x128xf32, #tpu.memory_space<vmem_shared>>
      tpu.wait_dma2 semaphore(%run_scoped3A : memref<!tpu.dma_semaphore, #tpu.memory_space<semaphore_mem>>) src(%arg8 : memref<128x128xf32, #tpu.memory_space<vmem>>) dst(%dma_wait3A_32 : memref<128x128xf32, #tpu.memory_space<vmem_shared>>)
      tpu.yield
    }) : () -> ()
    %add3A_11 = arith.constant 128 : i32
    %add3A_12 = arith.addi %mul3A_8, %add3A_11 : i32
    "tpu.region"() ({
      %run_scoped3A = tpu.sem_alloc : memref<!tpu.dma_semaphore, #tpu.memory_space<semaphore_mem>>
      %dma_start3A = arith.constant 0 : i32
      %dma_start3A_27 = tpu.memref_slice %arg9[%add3A_12, %dma_start3A] : memref<10112x128xf32, #tpu.memory_space<vmem_shared>> -> memref<128x128xf32, #tpu.memory_space<vmem_shared>>
      %dma_start3A_28 = arith.constant 0 : i32
      %dma_start3A_29 = tpu.memref_slice %arg9[%add3A_12, %dma_start3A_28] : memref<10112x128xf32, #tpu.memory_space<vmem_shared>> -> memref<128x128xf32, #tpu.memory_space<vmem_shared>>
      tpu.enqueue_dma source(%arg8 : memref<128x128xf32, #tpu.memory_space<vmem>>) target(%dma_start3A_29 : memref<128x128xf32, #tpu.memory_space<vmem_shared>>) target_semaphore(%run_scoped3A : memref<!tpu.dma_semaphore, #tpu.memory_space<semaphore_mem>>)
      %dma_wait3A = arith.constant 0 : i32
      %dma_wait3A_30 = tpu.memref_slice %arg9[%add3A_12, %dma_wait3A] : memref<10112x128xf32, #tpu.memory_space<vmem_shared>> -> memref<128x128xf32, #tpu.memory_space<vmem_shared>>
      %dma_wait3A_31 = arith.constant 0 : i32
      %dma_wait3A_32 = tpu.memref_slice %arg9[%add3A_12, %dma_wait3A_31] : memref<10112x128xf32, #tpu.memory_space<vmem_shared>> -> memref<128x128xf32, #tpu.memory_space<vmem_shared>>
      tpu.wait_dma2 semaphore(%run_scoped3A : memref<!tpu.dma_semaphore, #tpu.memory_space<semaphore_mem>>) src(%arg8 : memref<128x128xf32, #tpu.memory_space<vmem>>) dst(%dma_wait3A_32 : memref<128x128xf32, #tpu.memory_space<vmem_shared>>)
      tpu.yield
    }) : () -> ()
    %add3A_13 = arith.constant 256 : i32
    %add3A_14 = arith.addi %mul3A_8, %add3A_13 : i32
    "tpu.region"() ({
      %run_scoped3A = tpu.sem_alloc : memref<!tpu.dma_semaphore, #tpu.memory_space<semaphore_mem>>
      %dma_start3A = arith.constant 0 : i32
      %dma_start3A_27 = tpu.memref_slice %arg9[%add3A_14, %dma_start3A] : memref<10112x128xf32, #tpu.memory_space<vmem_shared>> -> memref<128x128xf32, #tpu.memory_space<vmem_shared>>
      %dma_start3A_28 = arith.constant 0 : i32
      %dma_start3A_29 = tpu.memref_slice %arg9[%add3A_14, %dma_start3A_28] : memref<10112x128xf32, #tpu.memory_space<vmem_shared>> -> memref<128x128xf32, #tpu.memory_space<vmem_shared>>
      tpu.enqueue_dma source(%arg8 : memref<128x128xf32, #tpu.memory_space<vmem>>) target(%dma_start3A_29 : memref<128x128xf32, #tpu.memory_space<vmem_shared>>) target_semaphore(%run_scoped3A : memref<!tpu.dma_semaphore, #tpu.memory_space<semaphore_mem>>)
      %dma_wait3A = arith.constant 0 : i32
      %dma_wait3A_30 = tpu.memref_slice %arg9[%add3A_14, %dma_wait3A] : memref<10112x128xf32, #tpu.memory_space<vmem_shared>> -> memref<128x128xf32, #tpu.memory_space<vmem_shared>>
      %dma_wait3A_31 = arith.constant 0 : i32
      %dma_wait3A_32 = tpu.memref_slice %arg9[%add3A_14, %dma_wait3A_31] : memref<10112x128xf32, #tpu.memory_space<vmem_shared>> -> memref<128x128xf32, #tpu.memory_space<vmem_shared>>
      tpu.wait_dma2 semaphore(%run_scoped3A : memref<!tpu.dma_semaphore, #tpu.memory_space<semaphore_mem>>) src(%arg8 : memref<128x128xf32, #tpu.memory_space<vmem>>) dst(%dma_wait3A_32 : memref<128x128xf32, #tpu.memory_space<vmem_shared>>)
      tpu.yield
    }) : () -> ()
    %add3A_15 = arith.constant 384 : i32
    %add3A_16 = arith.addi %mul3A_8, %add3A_15 : i32
    "tpu.region"() ({
      %run_scoped3A = tpu.sem_alloc : memref<!tpu.dma_semaphore, #tpu.memory_space<semaphore_mem>>
      %dma_start3A = arith.constant 0 : i32
      %dma_start3A_27 = tpu.memref_slice %arg9[%add3A_16, %dma_start3A] : memref<10112x128xf32, #tpu.memory_space<vmem_shared>> -> memref<128x128xf32, #tpu.memory_space<vmem_shared>>
      %dma_start3A_28 = arith.constant 0 : i32
      %dma_start3A_29 = tpu.memref_slice %arg9[%add3A_16, %dma_start3A_28] : memref<10112x128xf32, #tpu.memory_space<vmem_shared>> -> memref<128x128xf32, #tpu.memory_space<vmem_shared>>
      tpu.enqueue_dma source(%arg8 : memref<128x128xf32, #tpu.memory_space<vmem>>) target(%dma_start3A_29 : memref<128x128xf32, #tpu.memory_space<vmem_shared>>) target_semaphore(%run_scoped3A : memref<!tpu.dma_semaphore, #tpu.memory_space<semaphore_mem>>)
      %dma_wait3A = arith.constant 0 : i32
      %dma_wait3A_30 = tpu.memref_slice %arg9[%add3A_16, %dma_wait3A] : memref<10112x128xf32, #tpu.memory_space<vmem_shared>> -> memref<128x128xf32, #tpu.memory_space<vmem_shared>>
      %dma_wait3A_31 = arith.constant 0 : i32
      %dma_wait3A_32 = tpu.memref_slice %arg9[%add3A_16, %dma_wait3A_31] : memref<10112x128xf32, #tpu.memory_space<vmem_shared>> -> memref<128x128xf32, #tpu.memory_space<vmem_shared>>
      tpu.wait_dma2 semaphore(%run_scoped3A : memref<!tpu.dma_semaphore, #tpu.memory_space<semaphore_mem>>) src(%arg8 : memref<128x128xf32, #tpu.memory_space<vmem>>) dst(%dma_wait3A_32 : memref<128x128xf32, #tpu.memory_space<vmem_shared>>)
      tpu.yield
    }) : () -> ()
    %add3A_17 = arith.constant 512 : i32
    %add3A_18 = arith.addi %mul3A_8, %add3A_17 : i32
    "tpu.region"() ({
      %run_scoped3A = tpu.sem_alloc : memref<!tpu.dma_semaphore, #tpu.memory_space<semaphore_mem>>
      %dma_start3A = arith.constant 0 : i32
      %dma_start3A_27 = arith.constant 0 : i32
      %dma_start3A_28 = tpu.memref_slice %arg8[%dma_start3A, %dma_start3A_27] : memref<128x128xf32, #tpu.memory_space<vmem>> -> memref<120x128xf32, #tpu.memory_space<vmem>>
      %dma_start3A_29 = arith.constant 0 : i32
      %dma_start3A_30 = tpu.memref_slice %arg9[%add3A_18, %dma_start3A_29] : memref<10112x128xf32, #tpu.memory_space<vmem_shared>> -> memref<120x128xf32, #tpu.memory_space<vmem_shared>>
      %dma_start3A_31 = arith.constant 0 : i32
      %dma_start3A_32 = tpu.memref_slice %arg9[%add3A_18, %dma_start3A_31] : memref<10112x128xf32, #tpu.memory_space<vmem_shared>> -> memref<120x128xf32, #tpu.memory_space<vmem_shared>>
      %dma_start3A_33 = arith.constant 0 : i32
      %dma_start3A_34 = arith.constant 0 : i32
      %dma_start3A_35 = tpu.memref_slice %arg8[%dma_start3A_33, %dma_start3A_34] : memref<128x128xf32, #tpu.memory_space<vmem>> -> memref<120x128xf32, #tpu.memory_space<vmem>>
      tpu.enqueue_dma source(%dma_start3A_35 : memref<120x128xf32, #tpu.memory_space<vmem>>) target(%dma_start3A_32 : memref<120x128xf32, #tpu.memory_space<vmem_shared>>) target_semaphore(%run_scoped3A : memref<!tpu.dma_semaphore, #tpu.memory_space<semaphore_mem>>)
      %dma_wait3A = arith.constant 0 : i32
      %dma_wait3A_36 = arith.constant 0 : i32
      %dma_wait3A_37 = tpu.memref_slice %arg8[%dma_wait3A, %dma_wait3A_36] : memref<128x128xf32, #tpu.memory_space<vmem>> -> memref<120x128xf32, #tpu.memory_space<vmem>>
      %dma_wait3A_38 = arith.constant 0 : i32
      %dma_wait3A_39 = tpu.memref_slice %arg9[%add3A_18, %dma_wait3A_38] : memref<10112x128xf32, #tpu.memory_space<vmem_shared>> -> memref<120x128xf32, #tpu.memory_space<vmem_shared>>
      %dma_wait3A_40 = arith.constant 0 : i32
      %dma_wait3A_41 = tpu.memref_slice %arg9[%add3A_18, %dma_wait3A_40] : memref<10112x128xf32, #tpu.memory_space<vmem_shared>> -> memref<120x128xf32, #tpu.memory_space<vmem_shared>>
      %dma_wait3A_42 = arith.constant 0 : i32
      %dma_wait3A_43 = arith.constant 0 : i32
      %dma_wait3A_44 = tpu.memref_slice %arg8[%dma_wait3A_42, %dma_wait3A_43] : memref<128x128xf32, #tpu.memory_space<vmem>> -> memref<120x128xf32, #tpu.memory_space<vmem>>
      tpu.wait_dma2 semaphore(%run_scoped3A : memref<!tpu.dma_semaphore, #tpu.memory_space<semaphore_mem>>) src(%dma_wait3A_44 : memref<120x128xf32, #tpu.memory_space<vmem>>) dst(%dma_wait3A_41 : memref<120x128xf32, #tpu.memory_space<vmem_shared>>)
      tpu.yield
    }) : () -> ()
    %barrier3A = arith.constant 0 : index
    tpu.barrier barrier_id(%barrier3A)
    "tpu.region"() ({
      %run_scoped3A = tpu.sem_alloc : memref<!tpu.dma_semaphore, #tpu.memory_space<semaphore_mem>>
      %dma_start3A = arith.constant 0 : i32
      %dma_start3A_27 = arith.constant 0 : i32
      %dma_start3A_28 = tpu.memref_slice %arg3[%add3A, %dma_start3A, %dma_start3A_27] : memref<32x79x128xi32, #tpu.memory_space<hbm>> -> memref<1x79x128xi32, #tpu.memory_space<hbm>>
      %dma_start3A_29 = tpu.memref_squeeze %dma_start3A_28 : memref<1x79x128xi32, #tpu.memory_space<hbm>> -> memref<79x128xi32, #tpu.memory_space<hbm>>
      %dma_start3A_30 = arith.constant 0 : i32
      %dma_start3A_31 = arith.constant 0 : i32
      %dma_start3A_32 = tpu.memref_slice %arg3[%add3A, %dma_start3A_30, %dma_start3A_31] : memref<32x79x128xi32, #tpu.memory_space<hbm>> -> memref<1x79x128xi32, #tpu.memory_space<hbm>>
      %dma_start3A_33 = tpu.memref_squeeze %dma_start3A_32 : memref<1x79x128xi32, #tpu.memory_space<hbm>> -> memref<79x128xi32, #tpu.memory_space<hbm>>
      tpu.enqueue_dma source(%dma_start3A_33 : memref<79x128xi32, #tpu.memory_space<hbm>>) target(%arg6 : memref<79x128xi32, #tpu.memory_space<vmem>>) target_semaphore(%run_scoped3A : memref<!tpu.dma_semaphore, #tpu.memory_space<semaphore_mem>>)
      %dma_wait3A = arith.constant 0 : i32
      %dma_wait3A_34 = arith.constant 0 : i32
      %dma_wait3A_35 = tpu.memref_slice %arg3[%add3A, %dma_wait3A, %dma_wait3A_34] : memref<32x79x128xi32, #tpu.memory_space<hbm>> -> memref<1x79x128xi32, #tpu.memory_space<hbm>>
      %dma_wait3A_36 = tpu.memref_squeeze %dma_wait3A_35 : memref<1x79x128xi32, #tpu.memory_space<hbm>> -> memref<79x128xi32, #tpu.memory_space<hbm>>
      %dma_wait3A_37 = arith.constant 0 : i32
      %dma_wait3A_38 = arith.constant 0 : i32
      %dma_wait3A_39 = tpu.memref_slice %arg3[%add3A, %dma_wait3A_37, %dma_wait3A_38] : memref<32x79x128xi32, #tpu.memory_space<hbm>> -> memref<1x79x128xi32, #tpu.memory_space<hbm>>
      %dma_wait3A_40 = tpu.memref_squeeze %dma_wait3A_39 : memref<1x79x128xi32, #tpu.memory_space<hbm>> -> memref<79x128xi32, #tpu.memory_space<hbm>>
      tpu.wait_dma2 semaphore(%run_scoped3A : memref<!tpu.dma_semaphore, #tpu.memory_space<semaphore_mem>>) src(%dma_wait3A_40 : memref<79x128xi32, #tpu.memory_space<hbm>>) dst(%arg6 : memref<79x128xi32, #tpu.memory_space<vmem>>)
      tpu.yield
    }) : () -> ()
    "tpu.region"() ({
      %run_scoped3A = tpu.sem_alloc : memref<!tpu.dma_semaphore, #tpu.memory_space<semaphore_mem>>
      %dma_start3A = arith.constant 0 : i32
      %dma_start3A_27 = arith.constant 0 : i32
      %dma_start3A_28 = tpu.memref_slice %arg4[%add3A, %dma_start3A, %dma_start3A_27] : memref<32x79x128xi32, #tpu.memory_space<hbm>> -> memref<1x79x128xi32, #tpu.memory_space<hbm>>
      %dma_start3A_29 = tpu.memref_squeeze %dma_start3A_28 : memref<1x79x128xi32, #tpu.memory_space<hbm>> -> memref<79x128xi32, #tpu.memory_space<hbm>>
      %dma_start3A_30 = arith.constant 0 : i32
      %dma_start3A_31 = arith.constant 0 : i32
      %dma_start3A_32 = tpu.memref_slice %arg4[%add3A, %dma_start3A_30, %dma_start3A_31] : memref<32x79x128xi32, #tpu.memory_space<hbm>> -> memref<1x79x128xi32, #tpu.memory_space<hbm>>
      %dma_start3A_33 = tpu.memref_squeeze %dma_start3A_32 : memref<1x79x128xi32, #tpu.memory_space<hbm>> -> memref<79x128xi32, #tpu.memory_space<hbm>>
      tpu.enqueue_dma source(%dma_start3A_33 : memref<79x128xi32, #tpu.memory_space<hbm>>) target(%arg7 : memref<79x128xi32, #tpu.memory_space<vmem>>) target_semaphore(%run_scoped3A : memref<!tpu.dma_semaphore, #tpu.memory_space<semaphore_mem>>)
      %dma_wait3A = arith.constant 0 : i32
      %dma_wait3A_34 = arith.constant 0 : i32
      %dma_wait3A_35 = tpu.memref_slice %arg4[%add3A, %dma_wait3A, %dma_wait3A_34] : memref<32x79x128xi32, #tpu.memory_space<hbm>> -> memref<1x79x128xi32, #tpu.memory_space<hbm>>
      %dma_wait3A_36 = tpu.memref_squeeze %dma_wait3A_35 : memref<1x79x128xi32, #tpu.memory_space<hbm>> -> memref<79x128xi32, #tpu.memory_space<hbm>>
      %dma_wait3A_37 = arith.constant 0 : i32
      %dma_wait3A_38 = arith.constant 0 : i32
      %dma_wait3A_39 = tpu.memref_slice %arg4[%add3A, %dma_wait3A_37, %dma_wait3A_38] : memref<32x79x128xi32, #tpu.memory_space<hbm>> -> memref<1x79x128xi32, #tpu.memory_space<hbm>>
      %dma_wait3A_40 = tpu.memref_squeeze %dma_wait3A_39 : memref<1x79x128xi32, #tpu.memory_space<hbm>> -> memref<79x128xi32, #tpu.memory_space<hbm>>
      tpu.wait_dma2 semaphore(%run_scoped3A : memref<!tpu.dma_semaphore, #tpu.memory_space<semaphore_mem>>) src(%dma_wait3A_40 : memref<79x128xi32, #tpu.memory_space<hbm>>) dst(%arg7 : memref<79x128xi32, #tpu.memory_space<vmem>>)
      tpu.yield
    }) : () -> ()
    %scan3A_19 = arith.constant 0 : i32
    %scan3A_20 = arith.constant 0 : i32
    %scan3A_21 = arith.constant 79 : i32
    %scan3A_22 = arith.addi %scan3A_20, %scan3A_21 : i32
    %scan3A_23 = arith.constant 1 : i32
    %scan3A_24 = scf.for %scan3A_27 = %scan3A_20 to %scan3A_22 step %scan3A_23 iter_args(%scan3A_28 = %scan3A_19) -> (i32)  : i32 {
      %dma_start3A = arith.constant 0 : i32
      %dma_start3A_29 = tpu.memref_slice %arg6[%scan3A_27, %dma_start3A] : memref<79x128xi32, #tpu.memory_space<vmem>> -> memref<1x128xi32, #tpu.memory_space<vmem>>
      %dma_start3A_30 = tpu.memref_squeeze %dma_start3A_29 : memref<1x128xi32, #tpu.memory_space<vmem>> -> memref<128xi32, #tpu.memory_space<vmem>>
      %dma_start3A_31 = arith.constant 0 : i32
      %dma_start3A_32 = arith.constant 0 : i32
      %dma_start3A_33 = tpu.memref_slice %arg2[%dma_start3A_31, %dma_start3A_32] : memref<10000x128xf32, #tpu.memory_space<hbm>> -> memref<10000x128xf32, #tpu.memory_space<hbm>>
      tpu.enqueue_indirect_dma source(%dma_start3A_33 : memref<10000x128xf32, #tpu.memory_space<hbm>>) target(%arg8 : memref<128x128xf32, #tpu.memory_space<vmem>>) offsets(%dma_start3A_30 : memref<128xi32, #tpu.memory_space<vmem>>) semaphore(%arg10 : memref<!tpu.dma_semaphore, #tpu.memory_space<semaphore_mem>>)
      %dma_wait3A = arith.constant 0 : i32
      %dma_wait3A_34 = tpu.memref_slice %arg6[%scan3A_27, %dma_wait3A] : memref<79x128xi32, #tpu.memory_space<vmem>> -> memref<1x128xi32, #tpu.memory_space<vmem>>
      %dma_wait3A_35 = tpu.memref_squeeze %dma_wait3A_34 : memref<1x128xi32, #tpu.memory_space<vmem>> -> memref<128xi32, #tpu.memory_space<vmem>>
      %dma_wait3A_36 = arith.constant 0 : i32
      %dma_wait3A_37 = arith.constant 0 : i32
      %dma_wait3A_38 = tpu.memref_slice %arg2[%dma_wait3A_36, %dma_wait3A_37] : memref<10000x128xf32, #tpu.memory_space<hbm>> -> memref<10000x128xf32, #tpu.memory_space<hbm>>
      tpu.wait_indirect_dma semaphore(%arg10 : memref<!tpu.dma_semaphore, #tpu.memory_space<semaphore_mem>>) src(%dma_wait3A_38 : memref<10000x128xf32, #tpu.memory_space<hbm>>) dst(%arg8 : memref<128x128xf32, #tpu.memory_space<vmem>>)
      "tpu.region"() ({
        %run_scoped3A = tpu.sem_alloc : memref<!tpu.dma_semaphore, #tpu.memory_space<semaphore_mem>>
        %dma_start3A_40 = arith.constant 0 : i32
        %dma_start3A_41 = tpu.memref_slice %arg7[%scan3A_27, %dma_start3A_40] : memref<79x128xi32, #tpu.memory_space<vmem>> -> memref<1x128xi32, #tpu.memory_space<vmem>>
        %dma_start3A_42 = tpu.memref_squeeze %dma_start3A_41 : memref<1x128xi32, #tpu.memory_space<vmem>> -> memref<128xi32, #tpu.memory_space<vmem>>
        %dma_start3A_43 = arith.constant 0 : i32
        %dma_start3A_44 = arith.constant 0 : i32
        %dma_start3A_45 = tpu.memref_slice %arg9[%dma_start3A_43, %dma_start3A_44] : memref<10112x128xf32, #tpu.memory_space<vmem_shared>> -> memref<10112x128xf32, #tpu.memory_space<vmem_shared>>
        tpu.enqueue_indirect_dma source(%arg8 : memref<128x128xf32, #tpu.memory_space<vmem>>) target(%dma_start3A_45 : memref<10112x128xf32, #tpu.memory_space<vmem_shared>>) offsets(%dma_start3A_42 : memref<128xi32, #tpu.memory_space<vmem>>) semaphore(%run_scoped3A : memref<!tpu.dma_semaphore, #tpu.memory_space<semaphore_mem>>) {add = true}
        %dma_wait3A_46 = arith.constant 0 : i32
        %dma_wait3A_47 = tpu.memref_slice %arg7[%scan3A_27, %dma_wait3A_46] : memref<79x128xi32, #tpu.memory_space<vmem>> -> memref<1x128xi32, #tpu.memory_space<vmem>>
        %dma_wait3A_48 = tpu.memref_squeeze %dma_wait3A_47 : memref<1x128xi32, #tpu.memory_space<vmem>> -> memref<128xi32, #tpu.memory_space<vmem>>
        %dma_wait3A_49 = arith.constant 0 : i32
        %dma_wait3A_50 = arith.constant 0 : i32
        %dma_wait3A_51 = tpu.memref_slice %arg9[%dma_wait3A_49, %dma_wait3A_50] : memref<10112x128xf32, #tpu.memory_space<vmem_shared>> -> memref<10112x128xf32, #tpu.memory_space<vmem_shared>>
        tpu.wait_indirect_dma semaphore(%run_scoped3A : memref<!tpu.dma_semaphore, #tpu.memory_space<semaphore_mem>>) src(%arg8 : memref<128x128xf32, #tpu.memory_space<vmem>>) dst(%dma_wait3A_51 : memref<10112x128xf32, #tpu.memory_space<vmem_shared>>)
        tpu.yield
      }) : () -> ()
      %scan3A_39 = arith.constant 0 : i32
      scf.yield %scan3A_39 : i32
    }
    %scan3A_25 = arith.constant 79 : i32
    %barrier3A_26 = arith.constant 0 : index
    tpu.barrier barrier_id(%barrier3A_26)
    "tpu.region"() ({
      %run_scoped3A = tpu.sem_alloc : memref<!tpu.dma_semaphore, #tpu.memory_space<semaphore_mem>>
      %dma_start3A = arith.constant 0 : i32
      %dma_start3A_27 = arith.constant 0 : i32
      %dma_start3A_28 = tpu.memref_slice %arg5[%arg0, %dma_start3A, %dma_start3A_27] : memref<2x10112x128xf32, #tpu.memory_space<hbm>> -> memref<1x10112x128xf32, #tpu.memory_space<hbm>>
      %dma_start3A_29 = tpu.memref_squeeze %dma_start3A_28 : memref<1x10112x128xf32, #tpu.memory_space<hbm>> -> memref<10112x128xf32, #tpu.memory_space<hbm>>
      %dma_start3A_30 = arith.constant 0 : i32
      %dma_start3A_31 = tpu.memref_slice %dma_start3A_29[%mul3A_8, %dma_start3A_30] : memref<10112x128xf32, #tpu.memory_space<hbm>> -> memref<632x128xf32, #tpu.memory_space<hbm>>
      %dma_start3A_32 = arith.constant 0 : i32
      %dma_start3A_33 = tpu.memref_slice %arg9[%mul3A_8, %dma_start3A_32] : memref<10112x128xf32, #tpu.memory_space<vmem_shared>> -> memref<632x128xf32, #tpu.memory_space<vmem_shared>>
      tpu.enqueue_dma source(%dma_start3A_33 : memref<632x128xf32, #tpu.memory_space<vmem_shared>>) target(%dma_start3A_31 : memref<632x128xf32, #tpu.memory_space<hbm>>) target_semaphore(%run_scoped3A : memref<!tpu.dma_semaphore, #tpu.memory_space<semaphore_mem>>)
      %dma_wait3A = arith.constant 0 : i32
      %dma_wait3A_34 = arith.constant 0 : i32
      %dma_wait3A_35 = tpu.memref_slice %arg5[%arg0, %dma_wait3A, %dma_wait3A_34] : memref<2x10112x128xf32, #tpu.memory_space<hbm>> -> memref<1x10112x128xf32, #tpu.memory_space<hbm>>
      %dma_wait3A_36 = tpu.memref_squeeze %dma_wait3A_35 : memref<1x10112x128xf32, #tpu.memory_space<hbm>> -> memref<10112x128xf32, #tpu.memory_space<hbm>>
      %dma_wait3A_37 = arith.constant 0 : i32
      %dma_wait3A_38 = tpu.memref_slice %dma_wait3A_36[%mul3A_8, %dma_wait3A_37] : memref<10112x128xf32, #tpu.memory_space<hbm>> -> memref<632x128xf32, #tpu.memory_space<hbm>>
      %dma_wait3A_39 = arith.constant 0 : i32
      %dma_wait3A_40 = tpu.memref_slice %arg9[%mul3A_8, %dma_wait3A_39] : memref<10112x128xf32, #tpu.memory_space<vmem_shared>> -> memref<632x128xf32, #tpu.memory_space<vmem_shared>>
      tpu.wait_dma2 semaphore(%run_scoped3A : memref<!tpu.dma_semaphore, #tpu.memory_space<semaphore_mem>>) src(%dma_wait3A_40 : memref<632x128xf32, #tpu.memory_space<vmem_shared>>) dst(%dma_wait3A_38 : memref<632x128xf32, #tpu.memory_space<hbm>>)
      tpu.yield
    }) : () -> ()
    return
  }
}

#map = affine_map<(d0, d1) -> (0, 0, 0)>
module attributes {stable_mosaic.version = 14 : i64} {
  func.func @_deg_kernel(%arg0: i32, %arg1: i32, %arg2: memref<32x79x128xi32, #tpu.memory_space<hbm>>, %arg3: memref<2x10112x16xf32, #tpu.memory_space<hbm>>, %arg4: memref<79x128xi32, #tpu.memory_space<vmem>>, %arg5: memref<128x16xf32, #tpu.memory_space<vmem>>, %arg6: memref<128x16xf32, #tpu.memory_space<vmem>>, %arg7: memref<10112x16xf32, #tpu.memory_space<vmem_shared>>) attributes {dimension_semantics = [#tpu.dimension_semantics<core_parallel>, #tpu.dimension_semantics<subcore_parallel>], iteration_bounds = array<i64: 2, 16>, scalar_prefetch = 0 : i64, scratch_operands = 4 : i64, tpu.core_type = #tpu.core_type<sc_vector_subcore>, window_params = [{transform_indices = #map}, {transform_indices = #map}]} {
    %mul3A = arith.constant 16 : i32
    %mul3A_0 = arith.muli %arg0, %mul3A : i32
    %add3A = arith.addi %mul3A_0, %arg1 : i32
    %scan3A = arith.constant 0 : i32
    %scan3A_1 = arith.constant 0 : i32
    %scan3A_2 = arith.constant 128 : i32
    %scan3A_3 = arith.addi %scan3A_1, %scan3A_2 : i32
    %scan3A_4 = arith.constant 1 : i32
    %scan3A_5 = scf.for %scan3A_34 = %scan3A_1 to %scan3A_3 step %scan3A_4 iter_args(%scan3A_35 = %scan3A) -> (i32)  : i32 {
      %broadcast_in_dim3A = arith.constant 1.000000e+00 : f32
      %broadcast_in_dim3A_36 = vector.broadcast %broadcast_in_dim3A : f32 to vector<16xf32>
      %swap3A = arith.index_cast %scan3A_34 : i32 to index
      %swap3A_37 = arith.constant 0 : index
      %swap3A_38 = tpu.vector_load %arg5[%swap3A, %swap3A_37] {strides = array<i32>} : memref<128x16xf32, #tpu.memory_space<vmem>>, vector<1x16xf32>,
      %swap3A_39 = vector.shape_cast %swap3A_38 : vector<1x16xf32> to vector<16xf32>
      %swap3A_40 = vector.shape_cast %broadcast_in_dim3A_36 : vector<16xf32> to vector<1x16xf32>
      tpu.vector_store %arg5[%swap3A, %swap3A_37], %swap3A_40 {strides = array<i32>} : memref<128x16xf32, #tpu.memory_space<vmem>>, vector<1x16xf32>,
      %scan3A_41 = arith.constant 0 : i32
      scf.yield %scan3A_41 : i32
    }
    %scan3A_6 = arith.constant 128 : i32
    %scan3A_7 = arith.constant 0 : i32
    %scan3A_8 = arith.constant 0 : i32
    %scan3A_9 = arith.constant 128 : i32
    %scan3A_10 = arith.addi %scan3A_8, %scan3A_9 : i32
    %scan3A_11 = arith.constant 1 : i32
    %scan3A_12 = scf.for %scan3A_34 = %scan3A_8 to %scan3A_10 step %scan3A_11 iter_args(%scan3A_35 = %scan3A_7) -> (i32)  : i32 {
      %jit3A = arith.constant 1 : i32
      %div3A = arith.divsi %scan3A_34, %jit3A : i32
      %sign3A = arith.constant 0 : i32
      %sign3A_36 = arith.cmpi sgt, %scan3A_34, %sign3A : i32
      %sign3A_37 = arith.extui %sign3A_36 : i1 to i32
      %sign3A_38 = arith.constant 0 : i32
      %sign3A_39 = arith.cmpi slt, %scan3A_34, %sign3A_38 : i32
      %sign3A_40 = arith.extui %sign3A_39 : i1 to i32
      %sign3A_41 = arith.subi %sign3A_37, %sign3A_40 : i32
      %sign3A_42 = arith.constant 0 : i32
      %sign3A_43 = arith.cmpi sgt, %jit3A, %sign3A_42 : i32
      %sign3A_44 = arith.extui %sign3A_43 : i1 to i32
      %sign3A_45 = arith.constant 0 : i32
      %sign3A_46 = arith.cmpi slt, %jit3A, %sign3A_45 : i32
      %sign3A_47 = arith.extui %sign3A_46 : i1 to i32
      %sign3A_48 = arith.subi %sign3A_44, %sign3A_47 : i32
      %ne3A = arith.cmpi ne, %sign3A_41, %sign3A_48 : i32
      %rem3A = arith.remsi %scan3A_34, %jit3A : i32
      %ne3A_49 = arith.constant 0 : i32
      %ne3A_50 = arith.cmpi ne, %rem3A, %ne3A_49 : i32
      %and3A = arith.andi %ne3A, %ne3A_50 : i1
      %sub3A = arith.constant 1 : i32
      %sub3A_51 = arith.subi %div3A, %sub3A : i32
      %select_n3A = arith.select %and3A, %sub3A_51, %div3A : i32
      %jit3A_52 = arith.constant 1 : i32
      %eq3A = arith.constant 0 : i32
      %eq3A_53 = arith.cmpi eq, %jit3A_52, %eq3A : i32
      %jit3A_54 = arith.constant 1 : i32
      %select_n3A_55 = arith.select %eq3A_53, %jit3A_54, %jit3A_52 : i32
      %rem3A_56 = arith.remsi %scan3A_34, %select_n3A_55 : i32
      %ne3A_57 = arith.constant 0 : i32
      %ne3A_58 = arith.cmpi ne, %rem3A_56, %ne3A_57 : i32
      %lt3A = arith.constant 0 : i32
      %lt3A_59 = arith.cmpi slt, %rem3A_56, %lt3A : i32
      %lt3A_60 = arith.constant 0 : i32
      %lt3A_61 = arith.cmpi slt, %select_n3A_55, %lt3A_60 : i32
      %ne3A_62 = arith.xori %lt3A_59, %lt3A_61 : i1
      %and3A_63 = arith.andi %ne3A_62, %ne3A_58 : i1
      %add3A_64 = arith.addi %rem3A_56, %select_n3A_55 : i32
      %select_n3A_65 = arith.select %and3A_63, %add3A_64, %rem3A_56 : i32
      %mul3A_66 = arith.constant 16 : i32
      %mul3A_67 = arith.muli %select_n3A_65, %mul3A_66 : i32
      %broadcast_in_dim3A = arith.constant 0.000000e+00 : f32
      %broadcast_in_dim3A_68 = vector.broadcast %broadcast_in_dim3A : f32 to vector<16xf32>
      %swap3A = arith.index_cast %select_n3A : i32 to index
      %swap3A_69 = arith.index_cast %mul3A_67 : i32 to index
      %swap3A_70 = tpu.vector_load %arg6[%swap3A, %swap3A_69] {strides = array<i32>} : memref<128x16xf32, #tpu.memory_space<vmem>>, vector<1x16xf32>,
      %swap3A_71 = vector.shape_cast %swap3A_70 : vector<1x16xf32> to vector<16xf32>
      %swap3A_72 = vector.shape_cast %broadcast_in_dim3A_68 : vector<16xf32> to vector<1x16xf32>
      tpu.vector_store %arg6[%swap3A, %swap3A_69], %swap3A_72 {strides = array<i32>} : memref<128x16xf32, #tpu.memory_space<vmem>>, vector<1x16xf32>,
      %scan3A_73 = arith.constant 0 : i32
      scf.yield %scan3A_73 : i32
    }
    %scan3A_13 = arith.constant 128 : i32
    %mul3A_14 = arith.constant 632 : i32
    %mul3A_15 = arith.muli %arg1, %mul3A_14 : i32
    %add3A_16 = arith.constant 0 : i32
    %add3A_17 = arith.addi %mul3A_15, %add3A_16 : i32
    "tpu.region"() ({
      %run_scoped3A = tpu.sem_alloc : memref<!tpu.dma_semaphore, #tpu.memory_space<semaphore_mem>>
      %dma_start3A = arith.constant 0 : i32
      %dma_start3A_34 = tpu.memref_slice %arg7[%add3A_17, %dma_start3A] : memref<10112x16xf32, #tpu.memory_space<vmem_shared>> -> memref<128x16xf32, #tpu.memory_space<vmem_shared>>
      %dma_start3A_35 = arith.constant 0 : i32
      %dma_start3A_36 = tpu.memref_slice %arg7[%add3A_17, %dma_start3A_35] : memref<10112x16xf32, #tpu.memory_space<vmem_shared>> -> memref<128x16xf32, #tpu.memory_space<vmem_shared>>
      tpu.enqueue_dma source(%arg6 : memref<128x16xf32, #tpu.memory_space<vmem>>) target(%dma_start3A_36 : memref<128x16xf32, #tpu.memory_space<vmem_shared>>) target_semaphore(%run_scoped3A : memref<!tpu.dma_semaphore, #tpu.memory_space<semaphore_mem>>)
      %dma_wait3A = arith.constant 0 : i32
      %dma_wait3A_37 = tpu.memref_slice %arg7[%add3A_17, %dma_wait3A] : memref<10112x16xf32, #tpu.memory_space<vmem_shared>> -> memref<128x16xf32, #tpu.memory_space<vmem_shared>>
      %dma_wait3A_38 = arith.constant 0 : i32
      %dma_wait3A_39 = tpu.memref_slice %arg7[%add3A_17, %dma_wait3A_38] : memref<10112x16xf32, #tpu.memory_space<vmem_shared>> -> memref<128x16xf32, #tpu.memory_space<vmem_shared>>
      tpu.wait_dma2 semaphore(%run_scoped3A : memref<!tpu.dma_semaphore, #tpu.memory_space<semaphore_mem>>) src(%arg6 : memref<128x16xf32, #tpu.memory_space<vmem>>) dst(%dma_wait3A_39 : memref<128x16xf32, #tpu.memory_space<vmem_shared>>)
      tpu.yield
    }) : () -> ()
    %add3A_18 = arith.constant 128 : i32
    %add3A_19 = arith.addi %mul3A_15, %add3A_18 : i32
    "tpu.region"() ({
      %run_scoped3A = tpu.sem_alloc : memref<!tpu.dma_semaphore, #tpu.memory_space<semaphore_mem>>
      %dma_start3A = arith.constant 0 : i32
      %dma_start3A_34 = tpu.memref_slice %arg7[%add3A_19, %dma_start3A] : memref<10112x16xf32, #tpu.memory_space<vmem_shared>> -> memref<128x16xf32, #tpu.memory_space<vmem_shared>>
      %dma_start3A_35 = arith.constant 0 : i32
      %dma_start3A_36 = tpu.memref_slice %arg7[%add3A_19, %dma_start3A_35] : memref<10112x16xf32, #tpu.memory_space<vmem_shared>> -> memref<128x16xf32, #tpu.memory_space<vmem_shared>>
      tpu.enqueue_dma source(%arg6 : memref<128x16xf32, #tpu.memory_space<vmem>>) target(%dma_start3A_36 : memref<128x16xf32, #tpu.memory_space<vmem_shared>>) target_semaphore(%run_scoped3A : memref<!tpu.dma_semaphore, #tpu.memory_space<semaphore_mem>>)
      %dma_wait3A = arith.constant 0 : i32
      %dma_wait3A_37 = tpu.memref_slice %arg7[%add3A_19, %dma_wait3A] : memref<10112x16xf32, #tpu.memory_space<vmem_shared>> -> memref<128x16xf32, #tpu.memory_space<vmem_shared>>
      %dma_wait3A_38 = arith.constant 0 : i32
      %dma_wait3A_39 = tpu.memref_slice %arg7[%add3A_19, %dma_wait3A_38] : memref<10112x16xf32, #tpu.memory_space<vmem_shared>> -> memref<128x16xf32, #tpu.memory_space<vmem_shared>>
      tpu.wait_dma2 semaphore(%run_scoped3A : memref<!tpu.dma_semaphore, #tpu.memory_space<semaphore_mem>>) src(%arg6 : memref<128x16xf32, #tpu.memory_space<vmem>>) dst(%dma_wait3A_39 : memref<128x16xf32, #tpu.memory_space<vmem_shared>>)
      tpu.yield
    }) : () -> ()
    %add3A_20 = arith.constant 256 : i32
    %add3A_21 = arith.addi %mul3A_15, %add3A_20 : i32
    "tpu.region"() ({
      %run_scoped3A = tpu.sem_alloc : memref<!tpu.dma_semaphore, #tpu.memory_space<semaphore_mem>>
      %dma_start3A = arith.constant 0 : i32
      %dma_start3A_34 = tpu.memref_slice %arg7[%add3A_21, %dma_start3A] : memref<10112x16xf32, #tpu.memory_space<vmem_shared>> -> memref<128x16xf32, #tpu.memory_space<vmem_shared>>
      %dma_start3A_35 = arith.constant 0 : i32
      %dma_start3A_36 = tpu.memref_slice %arg7[%add3A_21, %dma_start3A_35] : memref<10112x16xf32, #tpu.memory_space<vmem_shared>> -> memref<128x16xf32, #tpu.memory_space<vmem_shared>>
      tpu.enqueue_dma source(%arg6 : memref<128x16xf32, #tpu.memory_space<vmem>>) target(%dma_start3A_36 : memref<128x16xf32, #tpu.memory_space<vmem_shared>>) target_semaphore(%run_scoped3A : memref<!tpu.dma_semaphore, #tpu.memory_space<semaphore_mem>>)
      %dma_wait3A = arith.constant 0 : i32
      %dma_wait3A_37 = tpu.memref_slice %arg7[%add3A_21, %dma_wait3A] : memref<10112x16xf32, #tpu.memory_space<vmem_shared>> -> memref<128x16xf32, #tpu.memory_space<vmem_shared>>
      %dma_wait3A_38 = arith.constant 0 : i32
      %dma_wait3A_39 = tpu.memref_slice %arg7[%add3A_21, %dma_wait3A_38] : memref<10112x16xf32, #tpu.memory_space<vmem_shared>> -> memref<128x16xf32, #tpu.memory_space<vmem_shared>>
      tpu.wait_dma2 semaphore(%run_scoped3A : memref<!tpu.dma_semaphore, #tpu.memory_space<semaphore_mem>>) src(%arg6 : memref<128x16xf32, #tpu.memory_space<vmem>>) dst(%dma_wait3A_39 : memref<128x16xf32, #tpu.memory_space<vmem_shared>>)
      tpu.yield
    }) : () -> ()
    %add3A_22 = arith.constant 384 : i32
    %add3A_23 = arith.addi %mul3A_15, %add3A_22 : i32
    "tpu.region"() ({
      %run_scoped3A = tpu.sem_alloc : memref<!tpu.dma_semaphore, #tpu.memory_space<semaphore_mem>>
      %dma_start3A = arith.constant 0 : i32
      %dma_start3A_34 = tpu.memref_slice %arg7[%add3A_23, %dma_start3A] : memref<10112x16xf32, #tpu.memory_space<vmem_shared>> -> memref<128x16xf32, #tpu.memory_space<vmem_shared>>
      %dma_start3A_35 = arith.constant 0 : i32
      %dma_start3A_36 = tpu.memref_slice %arg7[%add3A_23, %dma_start3A_35] : memref<10112x16xf32, #tpu.memory_space<vmem_shared>> -> memref<128x16xf32, #tpu.memory_space<vmem_shared>>
      tpu.enqueue_dma source(%arg6 : memref<128x16xf32, #tpu.memory_space<vmem>>) target(%dma_start3A_36 : memref<128x16xf32, #tpu.memory_space<vmem_shared>>) target_semaphore(%run_scoped3A : memref<!tpu.dma_semaphore, #tpu.memory_space<semaphore_mem>>)
      %dma_wait3A = arith.constant 0 : i32
      %dma_wait3A_37 = tpu.memref_slice %arg7[%add3A_23, %dma_wait3A] : memref<10112x16xf32, #tpu.memory_space<vmem_shared>> -> memref<128x16xf32, #tpu.memory_space<vmem_shared>>
      %dma_wait3A_38 = arith.constant 0 : i32
      %dma_wait3A_39 = tpu.memref_slice %arg7[%add3A_23, %dma_wait3A_38] : memref<10112x16xf32, #tpu.memory_space<vmem_shared>> -> memref<128x16xf32, #tpu.memory_space<vmem_shared>>
      tpu.wait_dma2 semaphore(%run_scoped3A : memref<!tpu.dma_semaphore, #tpu.memory_space<semaphore_mem>>) src(%arg6 : memref<128x16xf32, #tpu.memory_space<vmem>>) dst(%dma_wait3A_39 : memref<128x16xf32, #tpu.memory_space<vmem_shared>>)
      tpu.yield
    }) : () -> ()
    %add3A_24 = arith.constant 512 : i32
    %add3A_25 = arith.addi %mul3A_15, %add3A_24 : i32
    "tpu.region"() ({
      %run_scoped3A = tpu.sem_alloc : memref<!tpu.dma_semaphore, #tpu.memory_space<semaphore_mem>>
      %dma_start3A = arith.constant 0 : i32
      %dma_start3A_34 = arith.constant 0 : i32
      %dma_start3A_35 = tpu.memref_slice %arg6[%dma_start3A, %dma_start3A_34] : memref<128x16xf32, #tpu.memory_space<vmem>> -> memref<120x16xf32, #tpu.memory_space<vmem>>
      %dma_start3A_36 = arith.constant 0 : i32
      %dma_start3A_37 = tpu.memref_slice %arg7[%add3A_25, %dma_start3A_36] : memref<10112x16xf32, #tpu.memory_space<vmem_shared>> -> memref<120x16xf32, #tpu.memory_space<vmem_shared>>
      %dma_start3A_38 = arith.constant 0 : i32
      %dma_start3A_39 = tpu.memref_slice %arg7[%add3A_25, %dma_start3A_38] : memref<10112x16xf32, #tpu.memory_space<vmem_shared>> -> memref<120x16xf32, #tpu.memory_space<vmem_shared>>
      %dma_start3A_40 = arith.constant 0 : i32
      %dma_start3A_41 = arith.constant 0 : i32
      %dma_start3A_42 = tpu.memref_slice %arg6[%dma_start3A_40, %dma_start3A_41] : memref<128x16xf32, #tpu.memory_space<vmem>> -> memref<120x16xf32, #tpu.memory_space<vmem>>
      tpu.enqueue_dma source(%dma_start3A_42 : memref<120x16xf32, #tpu.memory_space<vmem>>) target(%dma_start3A_39 : memref<120x16xf32, #tpu.memory_space<vmem_shared>>) target_semaphore(%run_scoped3A : memref<!tpu.dma_semaphore, #tpu.memory_space<semaphore_mem>>)
      %dma_wait3A = arith.constant 0 : i32
      %dma_wait3A_43 = arith.constant 0 : i32
      %dma_wait3A_44 = tpu.memref_slice %arg6[%dma_wait3A, %dma_wait3A_43] : memref<128x16xf32, #tpu.memory_space<vmem>> -> memref<120x16xf32, #tpu.memory_space<vmem>>
      %dma_wait3A_45 = arith.constant 0 : i32
      %dma_wait3A_46 = tpu.memref_slice %arg7[%add3A_25, %dma_wait3A_45] : memref<10112x16xf32, #tpu.memory_space<vmem_shared>> -> memref<120x16xf32, #tpu.memory_space<vmem_shared>>
      %dma_wait3A_47 = arith.constant 0 : i32
      %dma_wait3A_48 = tpu.memref_slice %arg7[%add3A_25, %dma_wait3A_47] : memref<10112x16xf32, #tpu.memory_space<vmem_shared>> -> memref<120x16xf32, #tpu.memory_space<vmem_shared>>
      %dma_wait3A_49 = arith.constant 0 : i32
      %dma_wait3A_50 = arith.constant 0 : i32
      %dma_wait3A_51 = tpu.memref_slice %arg6[%dma_wait3A_49, %dma_wait3A_50] : memref<128x16xf32, #tpu.memory_space<vmem>> -> memref<120x16xf32, #tpu.memory_space<vmem>>
      tpu.wait_dma2 semaphore(%run_scoped3A : memref<!tpu.dma_semaphore, #tpu.memory_space<semaphore_mem>>) src(%dma_wait3A_51 : memref<120x16xf32, #tpu.memory_space<vmem>>) dst(%dma_wait3A_48 : memref<120x16xf32, #tpu.memory_space<vmem_shared>>)
      tpu.yield
    }) : () -> ()
    %barrier3A = arith.constant 0 : index
    tpu.barrier barrier_id(%barrier3A)
    "tpu.region"() ({
      %run_scoped3A = tpu.sem_alloc : memref<!tpu.dma_semaphore, #tpu.memory_space<semaphore_mem>>
      %dma_start3A = arith.constant 0 : i32
      %dma_start3A_34 = arith.constant 0 : i32
      %dma_start3A_35 = tpu.memref_slice %arg2[%add3A, %dma_start3A, %dma_start3A_34] : memref<32x79x128xi32, #tpu.memory_space<hbm>> -> memref<1x79x128xi32, #tpu.memory_space<hbm>>
      %dma_start3A_36 = tpu.memref_squeeze %dma_start3A_35 : memref<1x79x128xi32, #tpu.memory_space<hbm>> -> memref<79x128xi32, #tpu.memory_space<hbm>>
      %dma_start3A_37 = arith.constant 0 : i32
      %dma_start3A_38 = arith.constant 0 : i32
      %dma_start3A_39 = tpu.memref_slice %arg2[%add3A, %dma_start3A_37, %dma_start3A_38] : memref<32x79x128xi32, #tpu.memory_space<hbm>> -> memref<1x79x128xi32, #tpu.memory_space<hbm>>
      %dma_start3A_40 = tpu.memref_squeeze %dma_start3A_39 : memref<1x79x128xi32, #tpu.memory_space<hbm>> -> memref<79x128xi32, #tpu.memory_space<hbm>>
      tpu.enqueue_dma source(%dma_start3A_40 : memref<79x128xi32, #tpu.memory_space<hbm>>) target(%arg4 : memref<79x128xi32, #tpu.memory_space<vmem>>) target_semaphore(%run_scoped3A : memref<!tpu.dma_semaphore, #tpu.memory_space<semaphore_mem>>)
      %dma_wait3A = arith.constant 0 : i32
      %dma_wait3A_41 = arith.constant 0 : i32
      %dma_wait3A_42 = tpu.memref_slice %arg2[%add3A, %dma_wait3A, %dma_wait3A_41] : memref<32x79x128xi32, #tpu.memory_space<hbm>> -> memref<1x79x128xi32, #tpu.memory_space<hbm>>
      %dma_wait3A_43 = tpu.memref_squeeze %dma_wait3A_42 : memref<1x79x128xi32, #tpu.memory_space<hbm>> -> memref<79x128xi32, #tpu.memory_space<hbm>>
      %dma_wait3A_44 = arith.constant 0 : i32
      %dma_wait3A_45 = arith.constant 0 : i32
      %dma_wait3A_46 = tpu.memref_slice %arg2[%add3A, %dma_wait3A_44, %dma_wait3A_45] : memref<32x79x128xi32, #tpu.memory_space<hbm>> -> memref<1x79x128xi32, #tpu.memory_space<hbm>>
      %dma_wait3A_47 = tpu.memref_squeeze %dma_wait3A_46 : memref<1x79x128xi32, #tpu.memory_space<hbm>> -> memref<79x128xi32, #tpu.memory_space<hbm>>
      tpu.wait_dma2 semaphore(%run_scoped3A : memref<!tpu.dma_semaphore, #tpu.memory_space<semaphore_mem>>) src(%dma_wait3A_47 : memref<79x128xi32, #tpu.memory_space<hbm>>) dst(%arg4 : memref<79x128xi32, #tpu.memory_space<vmem>>)
      tpu.yield
    }) : () -> ()
    %scan3A_26 = arith.constant 0 : i32
    %scan3A_27 = arith.constant 0 : i32
    %scan3A_28 = arith.constant 79 : i32
    %scan3A_29 = arith.addi %scan3A_27, %scan3A_28 : i32
    %scan3A_30 = arith.constant 1 : i32
    %scan3A_31 = scf.for %scan3A_34 = %scan3A_27 to %scan3A_29 step %scan3A_30 iter_args(%scan3A_35 = %scan3A_26) -> (i32)  : i32 {
      "tpu.region"() ({
        %run_scoped3A = tpu.sem_alloc : memref<!tpu.dma_semaphore, #tpu.memory_space<semaphore_mem>>
        %dma_start3A = arith.constant 0 : i32
        %dma_start3A_37 = tpu.memref_slice %arg4[%scan3A_34, %dma_start3A] : memref<79x128xi32, #tpu.memory_space<vmem>> -> memref<1x128xi32, #tpu.memory_space<vmem>>
        %dma_start3A_38 = tpu.memref_squeeze %dma_start3A_37 : memref<1x128xi32, #tpu.memory_space<vmem>> -> memref<128xi32, #tpu.memory_space<vmem>>
        %dma_start3A_39 = arith.constant 0 : i32
        %dma_start3A_40 = arith.constant 0 : i32
        %dma_start3A_41 = tpu.memref_slice %arg7[%dma_start3A_39, %dma_start3A_40] : memref<10112x16xf32, #tpu.memory_space<vmem_shared>> -> memref<10112x16xf32, #tpu.memory_space<vmem_shared>>
        tpu.enqueue_indirect_dma source(%arg5 : memref<128x16xf32, #tpu.memory_space<vmem>>) target(%dma_start3A_41 : memref<10112x16xf32, #tpu.memory_space<vmem_shared>>) offsets(%dma_start3A_38 : memref<128xi32, #tpu.memory_space<vmem>>) semaphore(%run_scoped3A : memref<!tpu.dma_semaphore, #tpu.memory_space<semaphore_mem>>) {add = true}
        %dma_wait3A = arith.constant 0 : i32
        %dma_wait3A_42 = tpu.memref_slice %arg4[%scan3A_34, %dma_wait3A] : memref<79x128xi32, #tpu.memory_space<vmem>> -> memref<1x128xi32, #tpu.memory_space<vmem>>
        %dma_wait3A_43 = tpu.memref_squeeze %dma_wait3A_42 : memref<1x128xi32, #tpu.memory_space<vmem>> -> memref<128xi32, #tpu.memory_space<vmem>>
        %dma_wait3A_44 = arith.constant 0 : i32
        %dma_wait3A_45 = arith.constant 0 : i32
        %dma_wait3A_46 = tpu.memref_slice %arg7[%dma_wait3A_44, %dma_wait3A_45] : memref<10112x16xf32, #tpu.memory_space<vmem_shared>> -> memref<10112x16xf32, #tpu.memory_space<vmem_shared>>
        tpu.wait_indirect_dma semaphore(%run_scoped3A : memref<!tpu.dma_semaphore, #tpu.memory_space<semaphore_mem>>) src(%arg5 : memref<128x16xf32, #tpu.memory_space<vmem>>) dst(%dma_wait3A_46 : memref<10112x16xf32, #tpu.memory_space<vmem_shared>>)
        tpu.yield
      }) : () -> ()
      %scan3A_36 = arith.constant 0 : i32
      scf.yield %scan3A_36 : i32
    }
    %scan3A_32 = arith.constant 79 : i32
    %barrier3A_33 = arith.constant 0 : index
    tpu.barrier barrier_id(%barrier3A_33)
    "tpu.region"() ({
      %run_scoped3A = tpu.sem_alloc : memref<!tpu.dma_semaphore, #tpu.memory_space<semaphore_mem>>
      %dma_start3A = arith.constant 0 : i32
      %dma_start3A_34 = arith.constant 0 : i32
      %dma_start3A_35 = tpu.memref_slice %arg3[%arg0, %dma_start3A, %dma_start3A_34] : memref<2x10112x16xf32, #tpu.memory_space<hbm>> -> memref<1x10112x16xf32, #tpu.memory_space<hbm>>
      %dma_start3A_36 = tpu.memref_squeeze %dma_start3A_35 : memref<1x10112x16xf32, #tpu.memory_space<hbm>> -> memref<10112x16xf32, #tpu.memory_space<hbm>>
      %dma_start3A_37 = arith.constant 0 : i32
      %dma_start3A_38 = tpu.memref_slice %dma_start3A_36[%mul3A_15, %dma_start3A_37] : memref<10112x16xf32, #tpu.memory_space<hbm>> -> memref<632x16xf32, #tpu.memory_space<hbm>>
      %dma_start3A_39 = arith.constant 0 : i32
      %dma_start3A_40 = tpu.memref_slice %arg7[%mul3A_15, %dma_start3A_39] : memref<10112x16xf32, #tpu.memory_space<vmem_shared>> -> memref<632x16xf32, #tpu.memory_space<vmem_shared>>
      tpu.enqueue_dma source(%dma_start3A_40 : memref<632x16xf32, #tpu.memory_space<vmem_shared>>) target(%dma_start3A_38 : memref<632x16xf32, #tpu.memory_space<hbm>>) target_semaphore(%run_scoped3A : memref<!tpu.dma_semaphore, #tpu.memory_space<semaphore_mem>>)
      %dma_wait3A = arith.constant 0 : i32
      %dma_wait3A_41 = arith.constant 0 : i32
      %dma_wait3A_42 = tpu.memref_slice %arg3[%arg0, %dma_wait3A, %dma_wait3A_41] : memref<2x10112x16xf32, #tpu.memory_space<hbm>> -> memref<1x10112x16xf32, #tpu.memory_space<hbm>>
      %dma_wait3A_43 = tpu.memref_squeeze %dma_wait3A_42 : memref<1x10112x16xf32, #tpu.memory_space<hbm>> -> memref<10112x16xf32, #tpu.memory_space<hbm>>
      %dma_wait3A_44 = arith.constant 0 : i32
      %dma_wait3A_45 = tpu.memref_slice %dma_wait3A_43[%mul3A_15, %dma_wait3A_44] : memref<10112x16xf32, #tpu.memory_space<hbm>> -> memref<632x16xf32, #tpu.memory_space<hbm>>
      %dma_wait3A_46 = arith.constant 0 : i32
      %dma_wait3A_47 = tpu.memref_slice %arg7[%mul3A_15, %dma_wait3A_46] : memref<10112x16xf32, #tpu.memory_space<vmem_shared>> -> memref<632x16xf32, #tpu.memory_space<vmem_shared>>
      tpu.wait_dma2 semaphore(%run_scoped3A : memref<!tpu.dma_semaphore, #tpu.memory_space<semaphore_mem>>) src(%dma_wait3A_47 : memref<632x16xf32, #tpu.memory_space<vmem_shared>>) dst(%dma_wait3A_45 : memref<632x16xf32, #tpu.memory_space<hbm>>)
      tpu.yield
    }) : () -> ()
    return
  }
}

#map = affine_map<(d0, d1) -> (0, 0)>
#map1 = affine_map<(d0, d1) -> (0, 0, 0)>
module attributes {stable_mosaic.version = 14 : i64} {
  func.func @_hop_kernel(%arg0: i32, %arg1: i32, %arg2: memref<10000x128xf32, #tpu.memory_space<hbm>>, %arg3: memref<32x79x128xi32, #tpu.memory_space<hbm>>, %arg4: memref<32x79x128xi32, #tpu.memory_space<hbm>>, %arg5: memref<2x10112x128xf32, #tpu.memory_space<hbm>>, %arg6: memref<79x128xi32, #tpu.memory_space<vmem>>, %arg7: memref<79x128xi32, #tpu.memory_space<vmem>>, %arg8: memref<128x128xf32, #tpu.memory_space<vmem>>, %arg9: memref<10112x128xf32, #tpu.memory_space<vmem_shared>>, %arg10: memref<!tpu.dma_semaphore, #tpu.memory_space<semaphore_mem>>) attributes {dimension_semantics = [#tpu.dimension_semantics<core_parallel>, #tpu.dimension_semantics<subcore_parallel>], iteration_bounds = array<i64: 2, 16>, scalar_prefetch = 0 : i64, scratch_operands = 5 : i64, tpu.core_type = #tpu.core_type<sc_vector_subcore>, window_params = [{transform_indices = #map}, {transform_indices = #map1}, {transform_indices = #map1}, {transform_indices = #map1}]} {
    %mul3A = arith.constant 16 : i32
    %mul3A_0 = arith.muli %arg0, %mul3A : i32
    %add3A = arith.addi %mul3A_0, %arg1 : i32
    %scan3A = arith.constant 0 : i32
    %scan3A_1 = arith.constant 0 : i32
    %scan3A_2 = arith.constant 1024 : i32
    %scan3A_3 = arith.addi %scan3A_1, %scan3A_2 : i32
    %scan3A_4 = arith.constant 1 : i32
    %scan3A_5 = scf.for %scan3A_27 = %scan3A_1 to %scan3A_3 step %scan3A_4 iter_args(%scan3A_28 = %scan3A) -> (i32)  : i32 {
      %jit3A = arith.constant 8 : i32
      %div3A = arith.divsi %scan3A_27, %jit3A : i32
      %sign3A = arith.constant 0 : i32
      %sign3A_29 = arith.cmpi sgt, %scan3A_27, %sign3A : i32
      %sign3A_30 = arith.extui %sign3A_29 : i1 to i32
      %sign3A_31 = arith.constant 0 : i32
      %sign3A_32 = arith.cmpi slt, %scan3A_27, %sign3A_31 : i32
      %sign3A_33 = arith.extui %sign3A_32 : i1 to i32
      %sign3A_34 = arith.subi %sign3A_30, %sign3A_33 : i32
      %sign3A_35 = arith.constant 0 : i32
      %sign3A_36 = arith.cmpi sgt, %jit3A, %sign3A_35 : i32
      %sign3A_37 = arith.extui %sign3A_36 : i1 to i32
      %sign3A_38 = arith.constant 0 : i32
      %sign3A_39 = arith.cmpi slt, %jit3A, %sign3A_38 : i32
      %sign3A_40 = arith.extui %sign3A_39 : i1 to i32
      %sign3A_41 = arith.subi %sign3A_37, %sign3A_40 : i32
      %ne3A = arith.cmpi ne, %sign3A_34, %sign3A_41 : i32
      %rem3A = arith.remsi %scan3A_27, %jit3A : i32
      %ne3A_42 = arith.constant 0 : i32
      %ne3A_43 = arith.cmpi ne, %rem3A, %ne3A_42 : i32
      %and3A = arith.andi %ne3A, %ne3A_43 : i1
      %sub3A = arith.constant 1 : i32
      %sub3A_44 = arith.subi %div3A, %sub3A : i32
      %select_n3A = arith.select %and3A, %sub3A_44, %div3A : i32
      %jit3A_45 = arith.constant 8 : i32
      %eq3A = arith.constant 0 : i32
      %eq3A_46 = arith.cmpi eq, %jit3A_45, %eq3A : i32
      %jit3A_47 = arith.constant 1 : i32
      %select_n3A_48 = arith.select %eq3A_46, %jit3A_47, %jit3A_45 : i32
      %rem3A_49 = arith.remsi %scan3A_27, %select_n3A_48 : i32
      %ne3A_50 = arith.constant 0 : i32
      %ne3A_51 = arith.cmpi ne, %rem3A_49, %ne3A_50 : i32
      %lt3A = arith.constant 0 : i32
      %lt3A_52 = arith.cmpi slt, %rem3A_49, %lt3A : i32
      %lt3A_53 = arith.constant 0 : i32
      %lt3A_54 = arith.cmpi slt, %select_n3A_48, %lt3A_53 : i32
      %ne3A_55 = arith.xori %lt3A_52, %lt3A_54 : i1
      %and3A_56 = arith.andi %ne3A_55, %ne3A_51 : i1
      %add3A_57 = arith.addi %rem3A_49, %select_n3A_48 : i32
      %select_n3A_58 = arith.select %and3A_56, %add3A_57, %rem3A_49 : i32
      %mul3A_59 = arith.constant 16 : i32
      %mul3A_60 = arith.muli %select_n3A_58, %mul3A_59 : i32
      %broadcast_in_dim3A = arith.constant 0.000000e+00 : f32
      %broadcast_in_dim3A_61 = vector.broadcast %broadcast_in_dim3A : f32 to vector<16xf32>
      %swap3A = arith.index_cast %select_n3A : i32 to index
      %swap3A_62 = arith.index_cast %mul3A_60 : i32 to index
      %swap3A_63 = tpu.vector_load %arg8[%swap3A, %swap3A_62] {strides = array<i32>} : memref<128x128xf32, #tpu.memory_space<vmem>>, vector<1x16xf32>,
      %swap3A_64 = vector.shape_cast %swap3A_63 : vector<1x16xf32> to vector<16xf32>
      %swap3A_65 = vector.shape_cast %broadcast_in_dim3A_61 : vector<16xf32> to vector<1x16xf32>
      tpu.vector_store %arg8[%swap3A, %swap3A_62], %swap3A_65 {strides = array<i32>} : memref<128x128xf32, #tpu.memory_space<vmem>>, vector<1x16xf32>,
      %scan3A_66 = arith.constant 0 : i32
      scf.yield %scan3A_66 : i32
    }
    %scan3A_6 = arith.constant 1024 : i32
    %mul3A_7 = arith.constant 632 : i32
    %mul3A_8 = arith.muli %arg1, %mul3A_7 : i32
    %add3A_9 = arith.constant 0 : i32
    %add3A_10 = arith.addi %mul3A_8, %add3A_9 : i32
    "tpu.region"() ({
      %run_scoped3A = tpu.sem_alloc : memref<!tpu.dma_semaphore, #tpu.memory_space<semaphore_mem>>
      %dma_start3A = arith.constant 0 : i32
      %dma_start3A_27 = tpu.memref_slice %arg9[%add3A_10, %dma_start3A] : memref<10112x128xf32, #tpu.memory_space<vmem_shared>> -> memref<128x128xf32, #tpu.memory_space<vmem_shared>>
      %dma_start3A_28 = arith.constant 0 : i32
      %dma_start3A_29 = tpu.memref_slice %arg9[%add3A_10, %dma_start3A_28] : memref<10112x128xf32, #tpu.memory_space<vmem_shared>> -> memref<128x128xf32, #tpu.memory_space<vmem_shared>>
      tpu.enqueue_dma source(%arg8 : memref<128x128xf32, #tpu.memory_space<vmem>>) target(%dma_start3A_29 : memref<128x128xf32, #tpu.memory_space<vmem_shared>>) target_semaphore(%run_scoped3A : memref<!tpu.dma_semaphore, #tpu.memory_space<semaphore_mem>>)
      %dma_wait3A = arith.constant 0 : i32
      %dma_wait3A_30 = tpu.memref_slice %arg9[%add3A_10, %dma_wait3A] : memref<10112x128xf32, #tpu.memory_space<vmem_shared>> -> memref<128x128xf32, #tpu.memory_space<vmem_shared>>
      %dma_wait3A_31 = arith.constant 0 : i32
      %dma_wait3A_32 = tpu.memref_slice %arg9[%add3A_10, %dma_wait3A_31] : memref<10112x128xf32, #tpu.memory_space<vmem_shared>> -> memref<128x128xf32, #tpu.memory_space<vmem_shared>>
      tpu.wait_dma2 semaphore(%run_scoped3A : memref<!tpu.dma_semaphore, #tpu.memory_space<semaphore_mem>>) src(%arg8 : memref<128x128xf32, #tpu.memory_space<vmem>>) dst(%dma_wait3A_32 : memref<128x128xf32, #tpu.memory_space<vmem_shared>>)
      tpu.yield
    }) : () -> ()
    %add3A_11 = arith.constant 128 : i32
    %add3A_12 = arith.addi %mul3A_8, %add3A_11 : i32
    "tpu.region"() ({
      %run_scoped3A = tpu.sem_alloc : memref<!tpu.dma_semaphore, #tpu.memory_space<semaphore_mem>>
      %dma_start3A = arith.constant 0 : i32
      %dma_start3A_27 = tpu.memref_slice %arg9[%add3A_12, %dma_start3A] : memref<10112x128xf32, #tpu.memory_space<vmem_shared>> -> memref<128x128xf32, #tpu.memory_space<vmem_shared>>
      %dma_start3A_28 = arith.constant 0 : i32
      %dma_start3A_29 = tpu.memref_slice %arg9[%add3A_12, %dma_start3A_28] : memref<10112x128xf32, #tpu.memory_space<vmem_shared>> -> memref<128x128xf32, #tpu.memory_space<vmem_shared>>
      tpu.enqueue_dma source(%arg8 : memref<128x128xf32, #tpu.memory_space<vmem>>) target(%dma_start3A_29 : memref<128x128xf32, #tpu.memory_space<vmem_shared>>) target_semaphore(%run_scoped3A : memref<!tpu.dma_semaphore, #tpu.memory_space<semaphore_mem>>)
      %dma_wait3A = arith.constant 0 : i32
      %dma_wait3A_30 = tpu.memref_slice %arg9[%add3A_12, %dma_wait3A] : memref<10112x128xf32, #tpu.memory_space<vmem_shared>> -> memref<128x128xf32, #tpu.memory_space<vmem_shared>>
      %dma_wait3A_31 = arith.constant 0 : i32
      %dma_wait3A_32 = tpu.memref_slice %arg9[%add3A_12, %dma_wait3A_31] : memref<10112x128xf32, #tpu.memory_space<vmem_shared>> -> memref<128x128xf32, #tpu.memory_space<vmem_shared>>
      tpu.wait_dma2 semaphore(%run_scoped3A : memref<!tpu.dma_semaphore, #tpu.memory_space<semaphore_mem>>) src(%arg8 : memref<128x128xf32, #tpu.memory_space<vmem>>) dst(%dma_wait3A_32 : memref<128x128xf32, #tpu.memory_space<vmem_shared>>)
      tpu.yield
    }) : () -> ()
    %add3A_13 = arith.constant 256 : i32
    %add3A_14 = arith.addi %mul3A_8, %add3A_13 : i32
    "tpu.region"() ({
      %run_scoped3A = tpu.sem_alloc : memref<!tpu.dma_semaphore, #tpu.memory_space<semaphore_mem>>
      %dma_start3A = arith.constant 0 : i32
      %dma_start3A_27 = tpu.memref_slice %arg9[%add3A_14, %dma_start3A] : memref<10112x128xf32, #tpu.memory_space<vmem_shared>> -> memref<128x128xf32, #tpu.memory_space<vmem_shared>>
      %dma_start3A_28 = arith.constant 0 : i32
      %dma_start3A_29 = tpu.memref_slice %arg9[%add3A_14, %dma_start3A_28] : memref<10112x128xf32, #tpu.memory_space<vmem_shared>> -> memref<128x128xf32, #tpu.memory_space<vmem_shared>>
      tpu.enqueue_dma source(%arg8 : memref<128x128xf32, #tpu.memory_space<vmem>>) target(%dma_start3A_29 : memref<128x128xf32, #tpu.memory_space<vmem_shared>>) target_semaphore(%run_scoped3A : memref<!tpu.dma_semaphore, #tpu.memory_space<semaphore_mem>>)
      %dma_wait3A = arith.constant 0 : i32
      %dma_wait3A_30 = tpu.memref_slice %arg9[%add3A_14, %dma_wait3A] : memref<10112x128xf32, #tpu.memory_space<vmem_shared>> -> memref<128x128xf32, #tpu.memory_space<vmem_shared>>
      %dma_wait3A_31 = arith.constant 0 : i32
      %dma_wait3A_32 = tpu.memref_slice %arg9[%add3A_14, %dma_wait3A_31] : memref<10112x128xf32, #tpu.memory_space<vmem_shared>> -> memref<128x128xf32, #tpu.memory_space<vmem_shared>>
      tpu.wait_dma2 semaphore(%run_scoped3A : memref<!tpu.dma_semaphore, #tpu.memory_space<semaphore_mem>>) src(%arg8 : memref<128x128xf32, #tpu.memory_space<vmem>>) dst(%dma_wait3A_32 : memref<128x128xf32, #tpu.memory_space<vmem_shared>>)
      tpu.yield
    }) : () -> ()
    %add3A_15 = arith.constant 384 : i32
    %add3A_16 = arith.addi %mul3A_8, %add3A_15 : i32
    "tpu.region"() ({
      %run_scoped3A = tpu.sem_alloc : memref<!tpu.dma_semaphore, #tpu.memory_space<semaphore_mem>>
      %dma_start3A = arith.constant 0 : i32
      %dma_start3A_27 = tpu.memref_slice %arg9[%add3A_16, %dma_start3A] : memref<10112x128xf32, #tpu.memory_space<vmem_shared>> -> memref<128x128xf32, #tpu.memory_space<vmem_shared>>
      %dma_start3A_28 = arith.constant 0 : i32
      %dma_start3A_29 = tpu.memref_slice %arg9[%add3A_16, %dma_start3A_28] : memref<10112x128xf32, #tpu.memory_space<vmem_shared>> -> memref<128x128xf32, #tpu.memory_space<vmem_shared>>
      tpu.enqueue_dma source(%arg8 : memref<128x128xf32, #tpu.memory_space<vmem>>) target(%dma_start3A_29 : memref<128x128xf32, #tpu.memory_space<vmem_shared>>) target_semaphore(%run_scoped3A : memref<!tpu.dma_semaphore, #tpu.memory_space<semaphore_mem>>)
      %dma_wait3A = arith.constant 0 : i32
      %dma_wait3A_30 = tpu.memref_slice %arg9[%add3A_16, %dma_wait3A] : memref<10112x128xf32, #tpu.memory_space<vmem_shared>> -> memref<128x128xf32, #tpu.memory_space<vmem_shared>>
      %dma_wait3A_31 = arith.constant 0 : i32
      %dma_wait3A_32 = tpu.memref_slice %arg9[%add3A_16, %dma_wait3A_31] : memref<10112x128xf32, #tpu.memory_space<vmem_shared>> -> memref<128x128xf32, #tpu.memory_space<vmem_shared>>
      tpu.wait_dma2 semaphore(%run_scoped3A : memref<!tpu.dma_semaphore, #tpu.memory_space<semaphore_mem>>) src(%arg8 : memref<128x128xf32, #tpu.memory_space<vmem>>) dst(%dma_wait3A_32 : memref<128x128xf32, #tpu.memory_space<vmem_shared>>)
      tpu.yield
    }) : () -> ()
    %add3A_17 = arith.constant 512 : i32
    %add3A_18 = arith.addi %mul3A_8, %add3A_17 : i32
    "tpu.region"() ({
      %run_scoped3A = tpu.sem_alloc : memref<!tpu.dma_semaphore, #tpu.memory_space<semaphore_mem>>
      %dma_start3A = arith.constant 0 : i32
      %dma_start3A_27 = arith.constant 0 : i32
      %dma_start3A_28 = tpu.memref_slice %arg8[%dma_start3A, %dma_start3A_27] : memref<128x128xf32, #tpu.memory_space<vmem>> -> memref<120x128xf32, #tpu.memory_space<vmem>>
      %dma_start3A_29 = arith.constant 0 : i32
      %dma_start3A_30 = tpu.memref_slice %arg9[%add3A_18, %dma_start3A_29] : memref<10112x128xf32, #tpu.memory_space<vmem_shared>> -> memref<120x128xf32, #tpu.memory_space<vmem_shared>>
      %dma_start3A_31 = arith.constant 0 : i32
      %dma_start3A_32 = tpu.memref_slice %arg9[%add3A_18, %dma_start3A_31] : memref<10112x128xf32, #tpu.memory_space<vmem_shared>> -> memref<120x128xf32, #tpu.memory_space<vmem_shared>>
      %dma_start3A_33 = arith.constant 0 : i32
      %dma_start3A_34 = arith.constant 0 : i32
      %dma_start3A_35 = tpu.memref_slice %arg8[%dma_start3A_33, %dma_start3A_34] : memref<128x128xf32, #tpu.memory_space<vmem>> -> memref<120x128xf32, #tpu.memory_space<vmem>>
      tpu.enqueue_dma source(%dma_start3A_35 : memref<120x128xf32, #tpu.memory_space<vmem>>) target(%dma_start3A_32 : memref<120x128xf32, #tpu.memory_space<vmem_shared>>) target_semaphore(%run_scoped3A : memref<!tpu.dma_semaphore, #tpu.memory_space<semaphore_mem>>)
      %dma_wait3A = arith.constant 0 : i32
      %dma_wait3A_36 = arith.constant 0 : i32
      %dma_wait3A_37 = tpu.memref_slice %arg8[%dma_wait3A, %dma_wait3A_36] : memref<128x128xf32, #tpu.memory_space<vmem>> -> memref<120x128xf32, #tpu.memory_space<vmem>>
      %dma_wait3A_38 = arith.constant 0 : i32
      %dma_wait3A_39 = tpu.memref_slice %arg9[%add3A_18, %dma_wait3A_38] : memref<10112x128xf32, #tpu.memory_space<vmem_shared>> -> memref<120x128xf32, #tpu.memory_space<vmem_shared>>
      %dma_wait3A_40 = arith.constant 0 : i32
      %dma_wait3A_41 = tpu.memref_slice %arg9[%add3A_18, %dma_wait3A_40] : memref<10112x128xf32, #tpu.memory_space<vmem_shared>> -> memref<120x128xf32, #tpu.memory_space<vmem_shared>>
      %dma_wait3A_42 = arith.constant 0 : i32
      %dma_wait3A_43 = arith.constant 0 : i32
      %dma_wait3A_44 = tpu.memref_slice %arg8[%dma_wait3A_42, %dma_wait3A_43] : memref<128x128xf32, #tpu.memory_space<vmem>> -> memref<120x128xf32, #tpu.memory_space<vmem>>
      tpu.wait_dma2 semaphore(%run_scoped3A : memref<!tpu.dma_semaphore, #tpu.memory_space<semaphore_mem>>) src(%dma_wait3A_44 : memref<120x128xf32, #tpu.memory_space<vmem>>) dst(%dma_wait3A_41 : memref<120x128xf32, #tpu.memory_space<vmem_shared>>)
      tpu.yield
    }) : () -> ()
    %barrier3A = arith.constant 0 : index
    tpu.barrier barrier_id(%barrier3A)
    "tpu.region"() ({
      %run_scoped3A = tpu.sem_alloc : memref<!tpu.dma_semaphore, #tpu.memory_space<semaphore_mem>>
      %dma_start3A = arith.constant 0 : i32
      %dma_start3A_27 = arith.constant 0 : i32
      %dma_start3A_28 = tpu.memref_slice %arg3[%add3A, %dma_start3A, %dma_start3A_27] : memref<32x79x128xi32, #tpu.memory_space<hbm>> -> memref<1x79x128xi32, #tpu.memory_space<hbm>>
      %dma_start3A_29 = tpu.memref_squeeze %dma_start3A_28 : memref<1x79x128xi32, #tpu.memory_space<hbm>> -> memref<79x128xi32, #tpu.memory_space<hbm>>
      %dma_start3A_30 = arith.constant 0 : i32
      %dma_start3A_31 = arith.constant 0 : i32
      %dma_start3A_32 = tpu.memref_slice %arg3[%add3A, %dma_start3A_30, %dma_start3A_31] : memref<32x79x128xi32, #tpu.memory_space<hbm>> -> memref<1x79x128xi32, #tpu.memory_space<hbm>>
      %dma_start3A_33 = tpu.memref_squeeze %dma_start3A_32 : memref<1x79x128xi32, #tpu.memory_space<hbm>> -> memref<79x128xi32, #tpu.memory_space<hbm>>
      tpu.enqueue_dma source(%dma_start3A_33 : memref<79x128xi32, #tpu.memory_space<hbm>>) target(%arg6 : memref<79x128xi32, #tpu.memory_space<vmem>>) target_semaphore(%run_scoped3A : memref<!tpu.dma_semaphore, #tpu.memory_space<semaphore_mem>>)
      %dma_wait3A = arith.constant 0 : i32
      %dma_wait3A_34 = arith.constant 0 : i32
      %dma_wait3A_35 = tpu.memref_slice %arg3[%add3A, %dma_wait3A, %dma_wait3A_34] : memref<32x79x128xi32, #tpu.memory_space<hbm>> -> memref<1x79x128xi32, #tpu.memory_space<hbm>>
      %dma_wait3A_36 = tpu.memref_squeeze %dma_wait3A_35 : memref<1x79x128xi32, #tpu.memory_space<hbm>> -> memref<79x128xi32, #tpu.memory_space<hbm>>
      %dma_wait3A_37 = arith.constant 0 : i32
      %dma_wait3A_38 = arith.constant 0 : i32
      %dma_wait3A_39 = tpu.memref_slice %arg3[%add3A, %dma_wait3A_37, %dma_wait3A_38] : memref<32x79x128xi32, #tpu.memory_space<hbm>> -> memref<1x79x128xi32, #tpu.memory_space<hbm>>
      %dma_wait3A_40 = tpu.memref_squeeze %dma_wait3A_39 : memref<1x79x128xi32, #tpu.memory_space<hbm>> -> memref<79x128xi32, #tpu.memory_space<hbm>>
      tpu.wait_dma2 semaphore(%run_scoped3A : memref<!tpu.dma_semaphore, #tpu.memory_space<semaphore_mem>>) src(%dma_wait3A_40 : memref<79x128xi32, #tpu.memory_space<hbm>>) dst(%arg6 : memref<79x128xi32, #tpu.memory_space<vmem>>)
      tpu.yield
    }) : () -> ()
    "tpu.region"() ({
      %run_scoped3A = tpu.sem_alloc : memref<!tpu.dma_semaphore, #tpu.memory_space<semaphore_mem>>
      %dma_start3A = arith.constant 0 : i32
      %dma_start3A_27 = arith.constant 0 : i32
      %dma_start3A_28 = tpu.memref_slice %arg4[%add3A, %dma_start3A, %dma_start3A_27] : memref<32x79x128xi32, #tpu.memory_space<hbm>> -> memref<1x79x128xi32, #tpu.memory_space<hbm>>
      %dma_start3A_29 = tpu.memref_squeeze %dma_start3A_28 : memref<1x79x128xi32, #tpu.memory_space<hbm>> -> memref<79x128xi32, #tpu.memory_space<hbm>>
      %dma_start3A_30 = arith.constant 0 : i32
      %dma_start3A_31 = arith.constant 0 : i32
      %dma_start3A_32 = tpu.memref_slice %arg4[%add3A, %dma_start3A_30, %dma_start3A_31] : memref<32x79x128xi32, #tpu.memory_space<hbm>> -> memref<1x79x128xi32, #tpu.memory_space<hbm>>
      %dma_start3A_33 = tpu.memref_squeeze %dma_start3A_32 : memref<1x79x128xi32, #tpu.memory_space<hbm>> -> memref<79x128xi32, #tpu.memory_space<hbm>>
      tpu.enqueue_dma source(%dma_start3A_33 : memref<79x128xi32, #tpu.memory_space<hbm>>) target(%arg7 : memref<79x128xi32, #tpu.memory_space<vmem>>) target_semaphore(%run_scoped3A : memref<!tpu.dma_semaphore, #tpu.memory_space<semaphore_mem>>)
      %dma_wait3A = arith.constant 0 : i32
      %dma_wait3A_34 = arith.constant 0 : i32
      %dma_wait3A_35 = tpu.memref_slice %arg4[%add3A, %dma_wait3A, %dma_wait3A_34] : memref<32x79x128xi32, #tpu.memory_space<hbm>> -> memref<1x79x128xi32, #tpu.memory_space<hbm>>
      %dma_wait3A_36 = tpu.memref_squeeze %dma_wait3A_35 : memref<1x79x128xi32, #tpu.memory_space<hbm>> -> memref<79x128xi32, #tpu.memory_space<hbm>>
      %dma_wait3A_37 = arith.constant 0 : i32
      %dma_wait3A_38 = arith.constant 0 : i32
      %dma_wait3A_39 = tpu.memref_slice %arg4[%add3A, %dma_wait3A_37, %dma_wait3A_38] : memref<32x79x128xi32, #tpu.memory_space<hbm>> -> memref<1x79x128xi32, #tpu.memory_space<hbm>>
      %dma_wait3A_40 = tpu.memref_squeeze %dma_wait3A_39 : memref<1x79x128xi32, #tpu.memory_space<hbm>> -> memref<79x128xi32, #tpu.memory_space<hbm>>
      tpu.wait_dma2 semaphore(%run_scoped3A : memref<!tpu.dma_semaphore, #tpu.memory_space<semaphore_mem>>) src(%dma_wait3A_40 : memref<79x128xi32, #tpu.memory_space<hbm>>) dst(%arg7 : memref<79x128xi32, #tpu.memory_space<vmem>>)
      tpu.yield
    }) : () -> ()
    %scan3A_19 = arith.constant 0 : i32
    %scan3A_20 = arith.constant 0 : i32
    %scan3A_21 = arith.constant 79 : i32
    %scan3A_22 = arith.addi %scan3A_20, %scan3A_21 : i32
    %scan3A_23 = arith.constant 1 : i32
    %scan3A_24 = scf.for %scan3A_27 = %scan3A_20 to %scan3A_22 step %scan3A_23 iter_args(%scan3A_28 = %scan3A_19) -> (i32)  : i32 {
      %dma_start3A = arith.constant 0 : i32
      %dma_start3A_29 = tpu.memref_slice %arg6[%scan3A_27, %dma_start3A] : memref<79x128xi32, #tpu.memory_space<vmem>> -> memref<1x128xi32, #tpu.memory_space<vmem>>
      %dma_start3A_30 = tpu.memref_squeeze %dma_start3A_29 : memref<1x128xi32, #tpu.memory_space<vmem>> -> memref<128xi32, #tpu.memory_space<vmem>>
      %dma_start3A_31 = arith.constant 0 : i32
      %dma_start3A_32 = arith.constant 0 : i32
      %dma_start3A_33 = tpu.memref_slice %arg2[%dma_start3A_31, %dma_start3A_32] : memref<10000x128xf32, #tpu.memory_space<hbm>> -> memref<10000x128xf32, #tpu.memory_space<hbm>>
      tpu.enqueue_indirect_dma source(%dma_start3A_33 : memref<10000x128xf32, #tpu.memory_space<hbm>>) target(%arg8 : memref<128x128xf32, #tpu.memory_space<vmem>>) offsets(%dma_start3A_30 : memref<128xi32, #tpu.memory_space<vmem>>) semaphore(%arg10 : memref<!tpu.dma_semaphore, #tpu.memory_space<semaphore_mem>>)
      %dma_wait3A = arith.constant 0 : i32
      %dma_wait3A_34 = tpu.memref_slice %arg6[%scan3A_27, %dma_wait3A] : memref<79x128xi32, #tpu.memory_space<vmem>> -> memref<1x128xi32, #tpu.memory_space<vmem>>
      %dma_wait3A_35 = tpu.memref_squeeze %dma_wait3A_34 : memref<1x128xi32, #tpu.memory_space<vmem>> -> memref<128xi32, #tpu.memory_space<vmem>>
      %dma_wait3A_36 = arith.constant 0 : i32
      %dma_wait3A_37 = arith.constant 0 : i32
      %dma_wait3A_38 = tpu.memref_slice %arg2[%dma_wait3A_36, %dma_wait3A_37] : memref<10000x128xf32, #tpu.memory_space<hbm>> -> memref<10000x128xf32, #tpu.memory_space<hbm>>
      tpu.wait_indirect_dma semaphore(%arg10 : memref<!tpu.dma_semaphore, #tpu.memory_space<semaphore_mem>>) src(%dma_wait3A_38 : memref<10000x128xf32, #tpu.memory_space<hbm>>) dst(%arg8 : memref<128x128xf32, #tpu.memory_space<vmem>>)
      "tpu.region"() ({
        %run_scoped3A = tpu.sem_alloc : memref<!tpu.dma_semaphore, #tpu.memory_space<semaphore_mem>>
        %dma_start3A_40 = arith.constant 0 : i32
        %dma_start3A_41 = tpu.memref_slice %arg7[%scan3A_27, %dma_start3A_40] : memref<79x128xi32, #tpu.memory_space<vmem>> -> memref<1x128xi32, #tpu.memory_space<vmem>>
        %dma_start3A_42 = tpu.memref_squeeze %dma_start3A_41 : memref<1x128xi32, #tpu.memory_space<vmem>> -> memref<128xi32, #tpu.memory_space<vmem>>
        %dma_start3A_43 = arith.constant 0 : i32
        %dma_start3A_44 = arith.constant 0 : i32
        %dma_start3A_45 = tpu.memref_slice %arg9[%dma_start3A_43, %dma_start3A_44] : memref<10112x128xf32, #tpu.memory_space<vmem_shared>> -> memref<10112x128xf32, #tpu.memory_space<vmem_shared>>
        tpu.enqueue_indirect_dma source(%arg8 : memref<128x128xf32, #tpu.memory_space<vmem>>) target(%dma_start3A_45 : memref<10112x128xf32, #tpu.memory_space<vmem_shared>>) offsets(%dma_start3A_42 : memref<128xi32, #tpu.memory_space<vmem>>) semaphore(%run_scoped3A : memref<!tpu.dma_semaphore, #tpu.memory_space<semaphore_mem>>) {add = true}
        %dma_wait3A_46 = arith.constant 0 : i32
        %dma_wait3A_47 = tpu.memref_slice %arg7[%scan3A_27, %dma_wait3A_46] : memref<79x128xi32, #tpu.memory_space<vmem>> -> memref<1x128xi32, #tpu.memory_space<vmem>>
        %dma_wait3A_48 = tpu.memref_squeeze %dma_wait3A_47 : memref<1x128xi32, #tpu.memory_space<vmem>> -> memref<128xi32, #tpu.memory_space<vmem>>
        %dma_wait3A_49 = arith.constant 0 : i32
        %dma_wait3A_50 = arith.constant 0 : i32
        %dma_wait3A_51 = tpu.memref_slice %arg9[%dma_wait3A_49, %dma_wait3A_50] : memref<10112x128xf32, #tpu.memory_space<vmem_shared>> -> memref<10112x128xf32, #tpu.memory_space<vmem_shared>>
        tpu.wait_indirect_dma semaphore(%run_scoped3A : memref<!tpu.dma_semaphore, #tpu.memory_space<semaphore_mem>>) src(%arg8 : memref<128x128xf32, #tpu.memory_space<vmem>>) dst(%dma_wait3A_51 : memref<10112x128xf32, #tpu.memory_space<vmem_shared>>)
        tpu.yield
      }) : () -> ()
      %scan3A_39 = arith.constant 0 : i32
      scf.yield %scan3A_39 : i32
    }
    %scan3A_25 = arith.constant 79 : i32
    %barrier3A_26 = arith.constant 0 : index
    tpu.barrier barrier_id(%barrier3A_26)
    "tpu.region"() ({
      %run_scoped3A = tpu.sem_alloc : memref<!tpu.dma_semaphore, #tpu.memory_space<semaphore_mem>>
      %dma_start3A = arith.constant 0 : i32
      %dma_start3A_27 = arith.constant 0 : i32
      %dma_start3A_28 = tpu.memref_slice %arg5[%arg0, %dma_start3A, %dma_start3A_27] : memref<2x10112x128xf32, #tpu.memory_space<hbm>> -> memref<1x10112x128xf32, #tpu.memory_space<hbm>>
      %dma_start3A_29 = tpu.memref_squeeze %dma_start3A_28 : memref<1x10112x128xf32, #tpu.memory_space<hbm>> -> memref<10112x128xf32, #tpu.memory_space<hbm>>
      %dma_start3A_30 = arith.constant 0 : i32
      %dma_start3A_31 = tpu.memref_slice %dma_start3A_29[%mul3A_8, %dma_start3A_30] : memref<10112x128xf32, #tpu.memory_space<hbm>> -> memref<632x128xf32, #tpu.memory_space<hbm>>
      %dma_start3A_32 = arith.constant 0 : i32
      %dma_start3A_33 = tpu.memref_slice %arg9[%mul3A_8, %dma_start3A_32] : memref<10112x128xf32, #tpu.memory_space<vmem_shared>> -> memref<632x128xf32, #tpu.memory_space<vmem_shared>>
      tpu.enqueue_dma source(%dma_start3A_33 : memref<632x128xf32, #tpu.memory_space<vmem_shared>>) target(%dma_start3A_31 : memref<632x128xf32, #tpu.memory_space<hbm>>) target_semaphore(%run_scoped3A : memref<!tpu.dma_semaphore, #tpu.memory_space<semaphore_mem>>)
      %dma_wait3A = arith.constant 0 : i32
      %dma_wait3A_34 = arith.constant 0 : i32
      %dma_wait3A_35 = tpu.memref_slice %arg5[%arg0, %dma_wait3A, %dma_wait3A_34] : memref<2x10112x128xf32, #tpu.memory_space<hbm>> -> memref<1x10112x128xf32, #tpu.memory_space<hbm>>
      %dma_wait3A_36 = tpu.memref_squeeze %dma_wait3A_35 : memref<1x10112x128xf32, #tpu.memory_space<hbm>> -> memref<10112x128xf32, #tpu.memory_space<hbm>>
      %dma_wait3A_37 = arith.constant 0 : i32
      %dma_wait3A_38 = tpu.memref_slice %dma_wait3A_36[%mul3A_8, %dma_wait3A_37] : memref<10112x128xf32, #tpu.memory_space<hbm>> -> memref<632x128xf32, #tpu.memory_space<hbm>>
      %dma_wait3A_39 = arith.constant 0 : i32
      %dma_wait3A_40 = tpu.memref_slice %arg9[%mul3A_8, %dma_wait3A_39] : memref<10112x128xf32, #tpu.memory_space<vmem_shared>> -> memref<632x128xf32, #tpu.memory_space<vmem_shared>>
      tpu.wait_dma2 semaphore(%run_scoped3A : memref<!tpu.dma_semaphore, #tpu.memory_space<semaphore_mem>>) src(%dma_wait3A_40 : memref<632x128xf32, #tpu.memory_space<vmem_shared>>) dst(%dma_wait3A_38 : memref<632x128xf32, #tpu.memory_space<hbm>>)
      tpu.yield
    }) : () -> ()
    return
  }
}

module attributes {stable_mosaic.version = 14 : i64} {
  func.func @_tc_g0_body(%arg0: memref<2x10112x16xf32, #tpu.memory_space<vmem>>, %arg1: memref<10000x128xf32, #tpu.memory_space<vmem>>, %arg2: memref<10000x128xf32, #tpu.memory_space<vmem>>) attributes {dimension_semantics = [], scalar_prefetch = 0 : i64, scratch_operands = 0 : i64, tpu.core_type = #tpu.core_type<tc>} {
    %get3A = arith.constant 0 : index
    %get3A_0 = arith.constant 0 : index
    %get3A_1 = arith.constant 0 : index
    %get3A_2 = vector.load %arg0[%get3A, %get3A_0, %get3A_1] : memref<2x10112x16xf32, #tpu.memory_space<vmem>>, vector<2x10112x16xf32>
    %slice3A = vector.extract_strided_slice %get3A_2 {offsets = [0, 0, 0], sizes = [1, 10112, 1], strides = [1, 1, 1]} : vector<2x10112x16xf32> to vector<1x10112x1xf32>
    %squeeze3A = vector.shape_cast %slice3A : vector<1x10112x1xf32> to vector<10112xf32>
    %slice3A_3 = vector.extract_strided_slice %get3A_2 {offsets = [1, 0, 0], sizes = [1, 10112, 1], strides = [1, 1, 1]} : vector<2x10112x16xf32> to vector<1x10112x1xf32>
    %squeeze3A_4 = vector.shape_cast %slice3A_3 : vector<1x10112x1xf32> to vector<10112xf32>
    %add3A = arith.addf %squeeze3A, %squeeze3A_4 : vector<10112xf32>
    %add3A_5 = arith.constant 1.000000e+00 : f32
    %add3A_6 = vector.broadcast %add3A_5 : f32 to vector<10112xf32>
    %add3A_7 = arith.addf %add3A, %add3A_6 : vector<10112xf32>
    %rsqrt3A = math.rsqrt %add3A_7 : vector<10112xf32>
    %slice3A_8 = vector.extract_strided_slice %rsqrt3A {offsets = [0], sizes = [10000], strides = [1]} : vector<10112xf32> to vector<10000xf32>
    %get3A_9 = arith.constant 0 : index
    %get3A_10 = arith.constant 0 : index
    %get3A_11 = vector.load %arg1[%get3A_9, %get3A_10] : memref<10000x128xf32, #tpu.memory_space<vmem>>, vector<10000x128xf32>
    %broadcast_in_dim3A = vector.shape_cast %slice3A_8 : vector<10000xf32> to vector<10000x1xf32>
    %mul3A = vector.broadcast %broadcast_in_dim3A : vector<10000x1xf32> to vector<10000x128xf32>
    %mul3A_12 = arith.mulf %get3A_11, %mul3A : vector<10000x128xf32>
    %swap3A = arith.constant 0 : index
    %swap3A_13 = arith.constant 0 : index
    %swap3A_14 = vector.load %arg2[%swap3A, %swap3A_13] : memref<10000x128xf32, #tpu.memory_space<vmem>>, vector<10000x128xf32>
    tpu.vector_store %arg2[%swap3A, %swap3A_13], %mul3A_12 {strides = array<i32>} : memref<10000x128xf32, #tpu.memory_space<vmem>>, vector<10000x128xf32>,
    return
  }
}

module attributes {stable_mosaic.version = 14 : i64} {
  func.func @_tc_g1_body(%arg0: memref<2x10112x16xf32, #tpu.memory_space<vmem>>, %arg1: memref<2x10112x128xf32, #tpu.memory_space<vmem>>, %arg2: memref<10000x128xf32, #tpu.memory_space<vmem>>, %arg3: memref<10000x128xf32, #tpu.memory_space<vmem>>) attributes {dimension_semantics = [], scalar_prefetch = 0 : i64, scratch_operands = 0 : i64, tpu.core_type = #tpu.core_type<tc>} {
    %get3A = arith.constant 0 : index
    %get3A_0 = arith.constant 0 : index
    %get3A_1 = arith.constant 0 : index
    %get3A_2 = vector.load %arg0[%get3A, %get3A_0, %get3A_1] : memref<2x10112x16xf32, #tpu.memory_space<vmem>>, vector<2x10112x16xf32>
    %slice3A = vector.extract_strided_slice %get3A_2 {offsets = [0, 0, 0], sizes = [1, 10112, 1], strides = [1, 1, 1]} : vector<2x10112x16xf32> to vector<1x10112x1xf32>
    %squeeze3A = vector.shape_cast %slice3A : vector<1x10112x1xf32> to vector<10112xf32>
    %slice3A_3 = vector.extract_strided_slice %get3A_2 {offsets = [1, 0, 0], sizes = [1, 10112, 1], strides = [1, 1, 1]} : vector<2x10112x16xf32> to vector<1x10112x1xf32>
    %squeeze3A_4 = vector.shape_cast %slice3A_3 : vector<1x10112x1xf32> to vector<10112xf32>
    %add3A = arith.addf %squeeze3A, %squeeze3A_4 : vector<10112xf32>
    %add3A_5 = arith.constant 1.000000e+00 : f32
    %add3A_6 = vector.broadcast %add3A_5 : f32 to vector<10112xf32>
    %add3A_7 = arith.addf %add3A, %add3A_6 : vector<10112xf32>
    %div3A = arith.constant 1.000000e+00 : f32
    %div3A_8 = vector.broadcast %div3A : f32 to vector<10112xf32>
    %div3A_9 = arith.divf %div3A_8, %add3A_7 : vector<10112xf32>
    %slice3A_10 = vector.extract_strided_slice %div3A_9 {offsets = [0], sizes = [10000], strides = [1]} : vector<10112xf32> to vector<10000xf32>
    %get3A_11 = arith.constant 0 : index
    %get3A_12 = arith.constant 0 : index
    %get3A_13 = arith.constant 0 : index
    %get3A_14 = vector.load %arg1[%get3A_11, %get3A_12, %get3A_13] : memref<2x10112x128xf32, #tpu.memory_space<vmem>>, vector<1x10000x128xf32>
    %get3A_15 = vector.shape_cast %get3A_14 : vector<1x10000x128xf32> to vector<10000x128xf32>
    %get3A_16 = arith.constant 1 : index
    %get3A_17 = arith.constant 0 : index
    %get3A_18 = arith.constant 0 : index
    %get3A_19 = vector.load %arg1[%get3A_16, %get3A_17, %get3A_18] : memref<2x10112x128xf32, #tpu.memory_space<vmem>>, vector<1x10000x128xf32>
    %get3A_20 = vector.shape_cast %get3A_19 : vector<1x10000x128xf32> to vector<10000x128xf32>
    %add3A_21 = arith.addf %get3A_15, %get3A_20 : vector<10000x128xf32>
    %get3A_22 = arith.constant 0 : index
    %get3A_23 = arith.constant 0 : index
    %get3A_24 = vector.load %arg2[%get3A_22, %get3A_23] : memref<10000x128xf32, #tpu.memory_space<vmem>>, vector<10000x128xf32>
    %add3A_25 = arith.addf %add3A_21, %get3A_24 : vector<10000x128xf32>
    %broadcast_in_dim3A = vector.shape_cast %slice3A_10 : vector<10000xf32> to vector<10000x1xf32>
    %mul3A = vector.broadcast %broadcast_in_dim3A : vector<10000x1xf32> to vector<10000x128xf32>
    %mul3A_26 = arith.mulf %add3A_25, %mul3A : vector<10000x128xf32>
    %swap3A = arith.constant 0 : index
    %swap3A_27 = arith.constant 0 : index
    %swap3A_28 = vector.load %arg3[%swap3A, %swap3A_27] : memref<10000x128xf32, #tpu.memory_space<vmem>>, vector<10000x128xf32>
    tpu.vector_store %arg3[%swap3A, %swap3A_27], %mul3A_26 {strides = array<i32>} : memref<10000x128xf32, #tpu.memory_space<vmem>>, vector<10000x128xf32>,
    return
  }
}

module attributes {stable_mosaic.version = 14 : i64} {
  func.func @_tc_out_body(%arg0: memref<2x10112x16xf32, #tpu.memory_space<vmem>>, %arg1: memref<2x10112x128xf32, #tpu.memory_space<vmem>>, %arg2: memref<10000x128xf32, #tpu.memory_space<vmem>>, %arg3: memref<128x128xf32, #tpu.memory_space<vmem>>, %arg4: memref<128xf32, #tpu.memory_space<vmem>>, %arg5: memref<10000x128xf32, #tpu.memory_space<vmem>>) attributes {dimension_semantics = [], scalar_prefetch = 0 : i64, scratch_operands = 0 : i64, tpu.core_type = #tpu.core_type<tc>} {
    %get3A = arith.constant 0 : index
    %get3A_0 = arith.constant 0 : index
    %get3A_1 = arith.constant 0 : index
    %get3A_2 = vector.load %arg0[%get3A, %get3A_0, %get3A_1] : memref<2x10112x16xf32, #tpu.memory_space<vmem>>, vector<2x10112x16xf32>
    %slice3A = vector.extract_strided_slice %get3A_2 {offsets = [0, 0, 0], sizes = [1, 10112, 1], strides = [1, 1, 1]} : vector<2x10112x16xf32> to vector<1x10112x1xf32>
    %squeeze3A = vector.shape_cast %slice3A : vector<1x10112x1xf32> to vector<10112xf32>
    %slice3A_3 = vector.extract_strided_slice %get3A_2 {offsets = [1, 0, 0], sizes = [1, 10112, 1], strides = [1, 1, 1]} : vector<2x10112x16xf32> to vector<1x10112x1xf32>
    %squeeze3A_4 = vector.shape_cast %slice3A_3 : vector<1x10112x1xf32> to vector<10112xf32>
    %add3A = arith.addf %squeeze3A, %squeeze3A_4 : vector<10112xf32>
    %add3A_5 = arith.constant 1.000000e+00 : f32
    %add3A_6 = vector.broadcast %add3A_5 : f32 to vector<10112xf32>
    %add3A_7 = arith.addf %add3A, %add3A_6 : vector<10112xf32>
    %rsqrt3A = math.rsqrt %add3A_7 : vector<10112xf32>
    %slice3A_8 = vector.extract_strided_slice %rsqrt3A {offsets = [0], sizes = [10000], strides = [1]} : vector<10112xf32> to vector<10000xf32>
    %get3A_9 = arith.constant 0 : index
    %get3A_10 = arith.constant 0 : index
    %get3A_11 = arith.constant 0 : index
    %get3A_12 = vector.load %arg1[%get3A_9, %get3A_10, %get3A_11] : memref<2x10112x128xf32, #tpu.memory_space<vmem>>, vector<1x10000x128xf32>
    %get3A_13 = vector.shape_cast %get3A_12 : vector<1x10000x128xf32> to vector<10000x128xf32>
    %get3A_14 = arith.constant 1 : index
    %get3A_15 = arith.constant 0 : index
    %get3A_16 = arith.constant 0 : index
    %get3A_17 = vector.load %arg1[%get3A_14, %get3A_15, %get3A_16] : memref<2x10112x128xf32, #tpu.memory_space<vmem>>, vector<1x10000x128xf32>
    %get3A_18 = vector.shape_cast %get3A_17 : vector<1x10000x128xf32> to vector<10000x128xf32>
    %add3A_19 = arith.addf %get3A_13, %get3A_18 : vector<10000x128xf32>
    %get3A_20 = arith.constant 0 : index
    %get3A_21 = arith.constant 0 : index
    %get3A_22 = vector.load %arg2[%get3A_20, %get3A_21] : memref<10000x128xf32, #tpu.memory_space<vmem>>, vector<10000x128xf32>
    %add3A_23 = arith.addf %add3A_19, %get3A_22 : vector<10000x128xf32>
    %broadcast_in_dim3A = vector.shape_cast %slice3A_8 : vector<10000xf32> to vector<10000x1xf32>
    %mul3A = vector.broadcast %broadcast_in_dim3A : vector<10000x1xf32> to vector<10000x128xf32>
    %mul3A_24 = arith.mulf %add3A_23, %mul3A : vector<10000x128xf32>
    %get3A_25 = arith.constant 0 : index
    %get3A_26 = arith.constant 0 : index
    %get3A_27 = vector.load %arg3[%get3A_25, %get3A_26] : memref<128x128xf32, #tpu.memory_space<vmem>>, vector<128x128xf32>
    %dot_general3A = arith.constant dense<0.000000e+00> : vector<10000x128xf32>
    %dot_general3A_28 = tpu.matmul %mul3A_24, %get3A_27, %dot_general3A {dimension_numbers = #tpu.dot_dimension_numbers<[1], [0], [0], [1], [0, 0, 1, 1], [], []>, transpose_lhs_hint = false} : vector<10000x128xf32>, vector<128x128xf32>, vector<10000x128xf32> -> vector<10000x128xf32>
    %get3A_29 = arith.constant 0 : index
    %get3A_30 = vector.load %arg4[%get3A_29] : memref<128xf32, #tpu.memory_space<vmem>>, vector<128xf32>
    %broadcast_in_dim3A_31 = vector.shape_cast %get3A_30 : vector<128xf32> to vector<1x128xf32>
    %add3A_32 = vector.broadcast %broadcast_in_dim3A_31 : vector<1x128xf32> to vector<10000x128xf32>
    %add3A_33 = arith.addf %dot_general3A_28, %add3A_32 : vector<10000x128xf32>
    %swap3A = arith.constant 0 : index
    %swap3A_34 = arith.constant 0 : index
    %swap3A_35 = vector.load %arg5[%swap3A, %swap3A_34] : memref<10000x128xf32, #tpu.memory_space<vmem>>, vector<10000x128xf32>
    tpu.vector_store %arg5[%swap3A, %swap3A_34], %add3A_33 {strides = array<i32>} : memref<10000x128xf32, #tpu.memory_space<vmem>>, vector<10000x128xf32>,
    return
  }
}

</mosaic_0001>

<sc_bundles>
// kernel: kernel.11.cloned.1.call-start
scs
__scs_entry_jumppad:
0x0: {  	(pc) =	sbr.rel $0x88, $3  }
0x1: {  	(tag) =	ssettag $0x0;
	lr =	simm.s32 $0x1  }
0x2: {  	[smem:$0x3F9D] =	sst lr;
	_ =	strace $0xD0000000  }
0x3: {  	_ = 	snop  }
0x4: {  	_ = 	snop  }
0x5: {  	_ = 	snop  }
0x6: {  	_ = 	snop  }
0x7: {  	_ = 	snop  }
__scs_overlays_trampoline_lowered:
0x8: {  	[smem:$0x3FAC] =	sst s0  }
0x9: {  	[smem:$0x3FAD] =	sst s1  }
0xa: {  	[smem:$0x3FAE] =	sst s2  }
0xb: {  	[smem:$0x3FAF] =	sst s3  }
0xc: {  	[smem:$0x3FB0] =	sst s4  }
0xd: {  	[smem:$0x3FB1] =	sst s5  }
0xe: {  	[smem:$0x3FB2] =	sst s6  }
0xf: {  	[smem:$0x3FB3] =	sst s7  }
0x10: {  	[smem:$0x3FB4] =	sst s8  }
0x11: {  	[smem:$0x3FB5] =	sst s9;
	s0 =	simm.s32 @!p0 $0x0  }
0x12: {  	s1 =	sld [smem:$0x3F9B];
	s0 =	simm.s32 @p0 $0x1  }
0x13: {  	[smem:$0x3FB6] =	sst s0;
	s0 =	simm.s32 @!p1 $0x0  }
0x14: {  	s2 =	sld [smem:$0x3F9A];
	s0 =	simm.s32 @p1 $0x1  }
0x15: {  	[smem:$0x3FB7] =	sst s0;
	s0 =	simm.s32 @!p2 $0x0  }
0x16: {  	s3 =	sld [smem:$0x3FDB];
	s0 =	simm.s32 @p2 $0x1  }
0x17: {  	s4 =	simm.s32 $0x1BF5;
	[smem:$0x3FB9] =	sst s0  }
0x18: {  	s0 =	sld [smem:$0x3F9C];
	_ =	swait.ge [sflag:s4], $0x0  }
0x19: {  	s7 =	sld [smem:$0x3F9D]  }
0x1a: {  	s8 =	sadd.s32 $0xFFFFE003, lr  }
0x1b: {  	s9 =	sadd.s32 $0xFFFFFEF7, lr;
	s5 =	simm.s32 $0xFFFFFFFF;
	p2 =	slt.u32 s8, $0xFFFFF086  }
0x1c: {  	p1 =	slt.u32 s9, $0xF7A;
	s5 =	simm.s32 @!p2 $0x0  }
0x1d: {  	s5 =	simm.s32 @p1 $0x1;
	p0 =	seq.s32 s7, s2  }
0x1e: {  	s7 =	smul.u32 @!p0 $0xF7A, s2;
	p2 =	seq.s32 @!p0 s5, $0x0  }
0x1f: {  	s9 =	smul.u32 $0xF7A, s1;
	s8 =	simm.s32 @!p0 $0x1BF5;
	p2 =	por !p2, p0  }
0x20: {  	[sflag:s8] =	ssyncset.s32 @!p0 $0xFFFFF086;
	s6 =	sadd.s32 @!p0 s3, s7;
	s7 =	simm.s32 @!p0 $0x108  }
0x21: {  	s3 =	sadd.s32 s3, s9;
	s6 =	sadd.s32 @!p0 $0x88, s6;
	s7 =	simm.s32 @p2 $0x1082  }
0x22: {  	[simem:s7], [sflag:s8] =	dma.local @!p0 [hbm:s6], $0xF7A  }
0x23: {  	s9 =	sor.u32 $0xD0000000, s2;
	s6 =	simm.s32 $0x108;
	_ =	swait.ge @!p0 [sflag:s8], $0x0  }
0x24: {  	s3 =	sadd.s32 $0x88, s3;
	s6 =	simm.s32 @!p1 $0x1082;
	[sflag:s4] =	ssyncset.s32 $0xFFFFF086  }
0x25: {  	[simem:s6], [sflag:s4] =	dma.local [hbm:s3], $0xF7A  }
0x26: {  	[smem:$0x3F9D] =	sst s1;
	(tag) =	ssettag s2;
	_ =	strace s9  }
0x27: {  	s1 =	sld [smem:$0x3FAD]  }
0x28: {  	s2 =	sld [smem:$0x3FAE]  }
0x29: {  	s4 =	sld [smem:$0x3FB0]  }
0x2a: {  	p0 =	seq.s32 s5, $0x0;
	s5 =	sld [smem:$0x3FB1]  }
0x2b: {  	s6 =	sld [smem:$0x3FB2]  }
0x2c: {  	s7 =	sld [smem:$0x3FB3]  }
0x2d: {  	s3 =	simm.s32 $0x108;
	s8 =	sld [smem:$0x3FB4]  }
0x2e: {  	s3 =	simm.s32 @!p0 $0x1082;
	s9 =	sld [smem:$0x3FB5]  }
0x2f: {  	lr =	sadd.s32 s0, s3;
	s0 =	sld [smem:$0x3FAC]  }
0x30: {  	s3 =	sld [smem:$0x3FAF]  }
0x31: {  	[smem:$0x3FB8] =	sst s10  }
0x32: {  	s10 =	sld [smem:$0x3FB6];
	_ =	sdelay $0x3  }
0x33: {  	p0 =	seq.s32 s10, $0x1;
	s10 =	sld [smem:$0x3FB8];
	_ =	sdelay $0x3  }
0x34: {  	[smem:$0x3FB8] =	sst s10  }
0x35: {  	s10 =	sld [smem:$0x3FB7];
	_ =	sdelay $0x3  }
0x36: {  	p1 =	seq.s32 s10, $0x1;
	s10 =	sld [smem:$0x3FB8];
	_ =	sdelay $0x3  }
0x37: {  	[smem:$0x3FB8] =	sst s10  }
0x38: {  	s10 =	sld [smem:$0x3FB9]  }
0x39: {  	_ = 	snop;
	(pc) =	sbr.ind lr, $3  }
0x3a: {  	_ = 	snop  }
0x3b: {  	_ = 	snop  }
0x3c: {  	p2 =	seq.s32 s10, $0x1;
	s10 =	sld [smem:$0x3FB8]  }
0x3d: {  	_ =	shalt  }
0x3e: {  	_ =	shalt  }
0x3f: {  	_ =	shalt  }
0x40: {  	_ =	shalt  }
0x41: {  	_ =	shalt  }
0x42: {  	_ =	shalt  }
0x43: {  	_ =	shalt  }
0x44: {  	_ =	shalt  }
0x45: {  	_ =	shalt  }
0x46: {  	_ =	shalt  }
0x47: {  	_ =	shalt  }
0x48: {  	_ =	shalt  }
0x49: {  	_ =	shalt  }
0x4a: {  	_ =	shalt  }
0x4b: {  	_ =	shalt  }
0x4c: {  	_ =	shalt  }
0x4d: {  	_ =	shalt  }
0x4e: {  	_ =	shalt  }
0x4f: {  	_ =	shalt  }
0x50: {  	_ =	shalt  }
0x51: {  	_ =	shalt  }
0x52: {  	_ =	shalt  }
0x53: {  	_ =	shalt  }
0x54: {  	_ =	shalt  }
0x55: {  	_ =	shalt  }
0x56: {  	_ =	shalt  }
0x57: {  	_ =	shalt  }
0x58: {  	_ =	shalt  }
0x59: {  	_ =	shalt  }
0x5a: {  	_ =	shalt  }
0x5b: {  	_ =	shalt  }
0x5c: {  	_ =	shalt  }
0x5d: {  	_ =	shalt  }
0x5e: {  	_ =	shalt  }
0x5f: {  	_ =	shalt  }
0x60: {  	_ =	shalt  }
0x61: {  	_ =	shalt  }
0x62: {  	_ =	shalt  }
0x63: {  	_ =	shalt  }
0x64: {  	_ =	shalt  }
0x65: {  	_ =	shalt  }
0x66: {  	_ =	shalt  }
0x67: {  	_ =	shalt  }
0x68: {  	_ =	shalt  }
0x69: {  	_ =	shalt  }
0x6a: {  	_ =	shalt  }
0x6b: {  	_ =	shalt  }
0x6c: {  	_ =	shalt  }
0x6d: {  	_ =	shalt  }
0x6e: {  	_ =	shalt  }
0x6f: {  	_ =	shalt  }
0x70: {  	_ =	shalt  }
0x71: {  	_ =	shalt  }
0x72: {  	_ =	shalt  }
0x73: {  	_ =	shalt  }
0x74: {  	_ =	shalt  }
0x75: {  	_ =	shalt  }
0x76: {  	_ =	shalt  }
0x77: {  	_ =	shalt  }
0x78: {  	_ =	shalt  }
0x79: {  	_ =	shalt  }
0x7a: {  	_ =	shalt  }
0x7b: {  	_ =	shalt  }
0x7c: {  	_ =	shalt  }
0x7d: {  	_ =	shalt  }
0x7e: {  	_ =	shalt  }
0x7f: {  	_ =	shalt  }
0x80: {  	_ =	shalt  }
0x81: {  	_ =	shalt  }
0x82: {  	_ =	shalt  }
0x83: {  	_ =	shalt  }
0x84: {  	_ =	shalt  }
0x85: {  	_ =	shalt  }
0x86: {  	_ =	shalt  }
0x87: {  	_ =	shalt  }
.Lfunc_end0:
.L_simem_size_0:
called_computation.1_lowered:
.L_overlay_start_0:
0x88: {  	s2 =	sld [smem:$0x3FD9]  }
0x89: {  	s3 =	sld [smem:$0x3FFE];
	_ =	sdelay $0x1  }
0x8a: {  	s1 =	srdreg.scid  }
0x8b: {  	s0 =	sand.u32 $0x1, s1  }
0x8c: {  	s17 =	sshll.u32 s0, $0xA;
	s2 =	sadd.s32 s3, s2  }
0x8d: {  	s2 =	sadd.s32 s2, s17  }
0x8e: {  	[smem:$0x3FC4] =	sst s2  }
0x8f: {  	_ = 	snop  }
0x90: {  	s2 =	sld [smem:$0x3FD0];
	(tm) =	ssettm $0x1  }
0x91: {  	s18 =	sld [smem:$0x3FFB];
	_ =	sdelay $0x3  }
0x92: {  	_ =	strace s18  }
0x93: {  	s3 =	sld [smem:$0x3FFC];
	_ =	sdelay $0x3  }
0x94: {  	_ =	strace s3  }
0x95: {  	s3 =	sld [smem:$0x3FFD];
	_ =	sdelay $0x3  }
0x96: {  	_ =	strace s3  }
0x97: {  	_ =	strace $0x8FFFFFFF  }
0x98: {  	s19 =	sld [smem:$0x3FDB];
	_ =	sdelay $0x1  }
0x99: {  	s4 =	simm.s32 $_scs_section_size  }
0x9a: {  	s5 =	simm.s32 $_size__tile_overlayer_lowered;
	s6 =	simm.s32 $_tile_overlayer_lowered  }
0x9b: {  	s22 =	simm.s32 $0x1BFF;
	s21 =	sshll.u32 s6, $0x1;
	s3 =	sadd.s32 s4, s19  }
0x9c: {  	s7 =	simm.s32 $0x0;
	s20 =	sshll.u32 s5, $0x1;
	s5 =	sadd.s32 s21, s3  }
0x9d: {  	[timem:s7], [sflag:s22] =	dma.local [hbm:s5], s20  }
0x9e: {  	_ =	swait.ge [sflag:s22], s20  }
0x9f: {  	s4 =	ssub.s32 $0x0, s20;
	[sflag:s22] =	ssyncset.done $0x0  }
0xa0: {  	[sflag:s22] =	ssyncadd.s32 s4;
	_ =	sdelay $0x1  }
0xa1: {  	s23 =	simm.s32 $0x1B8B  }
0xa2: {  	_ =	swait.ge [sflag:s23], $0x1  }
0xa3: {  	[sflag:s23] =	ssyncset.done $0x0  }
0xa4: {  	s25 =	simm.s32 $0x1B8E;
	s24 =	sld [smem:$0x3FFE];
	[sflag:s23] =	ssyncadd.s32 $0xFFFFFFFF  }
0xa5: {  	s26 =	simm.s32 $execute0_lowered;
	[smem:$0x3FD2] =	sst s25  }
0xa6: {  	s5 =	sshll.u32 s26, $0x1;
	_ =	strace $0x80000049;
	[dreg:$0x1] =	wrdreg $0xFFFFFFFF  }
0xa7: {  	s28 =	simm.s32 $_size_execute0_lowered;
	s3 =	sadd.s32 s3, s5;
	[dreg:$0x0] =	wrdreg $0x0  }
0xa8: {  	s5 =	sshll.u32 s28, $0x1;
	[dreg:$0x2] =	wrdreg s3  }
0xa9: {  	[dreg:$0x3] =	wrdreg s5  }
0xaa: {  	[dreg:$0x4] =	wrdreg $0xC0  }
0xab: {  	_ =	task [dreg:s7], $0x5FFFF  }
0xac: {  	[dreg:$0x1] =	wrdreg $0xFFFFFFFF  }
0xad: {  	[dreg:$0x0] =	wrdreg $0x60  }
0xae: {  	[dreg:$0x2] =	wrdreg s2  }
0xaf: {  	[dreg:$0x3] =	wrdreg s24  }
0xb0: {  	[dreg:$0x4] =	wrdreg $0x90000  }
0xb1: {  	[dreg:$0x5] =	wrdreg $0x9  }
0xb2: {  	_ =	task.clear_ibuf [dreg:s7], $0x6FFFF;
	_ =	strace $0x90000049  }
0xb3: {  	s29 =	simm.s32 $0x9;
	_ =	strace $0x8000004B  }
0xb4: {  	_ =	swait.ge [sflag:s29], $0x1  }
0xb5: {  	[sflag:s29] =	ssyncadd.s32 $0xFFFFFFFF  }
0xb6: {  	_ =	strace $0x9000004B  }
0xb7: {  	_ =	sfence  }
0xb8: {  	s30 =	sld [smem:$0x0];
	_ =	sdelay $0x2  }
0xb9: {  	s31 =	sshll.u32 s1, $0xD;
	s1 =	sshrl.u32 s1, $0x2  }
0xba: {  	s3 =	sand.u32 $0x4000, s31;
	s1 =	sadd.s32 s1, s30  }
0xbb: {  	s0 =	sor.u32 s3, s0;
	s1 =	sshll.u32 s1, $0x11  }
0xbc: {  	s0 =	sor.u32 s1, s0  }
0xbd: {  	s0 =	sadd.s32 $0x8F2B, s0  }
0xbe: {  	[sflag:s0] =	ssyncadd.remote.s32 $0x1  }
0xbf: {  	_ =	sfence.sel $0xFFFF  }
0xc0: {  	[dreg:$0x0] =	wrdreg $0xFFFFFFFF;
	(pc) =	sbr.abs _section_cstart, $3  }
0xc1: {  	[dreg:$0x1] =	wrdreg $0xFFFFFFFF  }
0xc2: {  	_ =	task.clear_ibuf [dreg:s7], $0x2FFFF;
	_ =	strace $0x9FFFFFFF  }
0xc3: {  	(tm) =	ssettm $0x7FFFFFFF  }
tec
execute0_lowered:
.L_overlay_start_1:
0x0: {  	(tag) =	ssettag $0x1  }
0x1: {  	s1 =	rddreg [dreg:$0x0]  }
0x2: {  	s6 =	rddreg [dreg:$0x1]  }
0x3: {  	s2 =	rddreg [dreg:$0x2]  }
0x4: {  	s3 =	srdreg.scid;
	s0 =	rddreg [dreg:$0x3]  }
0x5: {  	s4 =	simm.s32 $0x0;
	s14 =	simm.s32 $0x2;
	s15 =	simm.s32 $0x2800  }
0x6: {  	s16 =	simm.s32 $0x80;
	s5 =	sand.u32 $0x1, s3;
	s3 =	stileid.u32  }
0x7: {  	s17 =	simm.s32 $0x1;
	s21 =	simm.s32 $0x0;
	s8 =	smul.u32 $0x4F000, s3  }
0x8: {  	[smem:$0x7FF] =	sst s4;
	s7 =	sshll.u32 s5, $0x4;
	s9 =	smul.u32 $0x27800, s5  }
0x9: {  	_ =	strace $0x8000004A;
	s10 =	ssub.s32 $0x2, s5;
	s19 =	smul.u32 $0x2780, s3  }
0xa: {  	s31 =	sshll.u32 s3, $0x6;
	s7 =	sor.u32 s3, s7;
	s30 =	sshrl.u32 s10, $0x1  }
0xb: {  	s7 =	smul.u32 $0x500, s7;
	s29 =	sshrl.u32 s8, $0x2;
	s12 =	sadd.s32 s9, s6  }
0xc: {  	s13 =	ssub.s32 s10, s30;
	s5 =	sadd.s32 s29, s2;
	s18 =	sadd.s32 $0xBA00, s12  }
0xd: {  	s12 =	smax.u32 s13, $0x1;
	s13 =	simm.s32 $0x5000;
	s11 =	sadd.s32 s7, s6  }
0xe: {  	s6 =	sadd.s32 $0x4000, s5;
	s7 =	sadd.s32 $0x8000, s5;
	s8 =	sadd.s32 $0xC000, s5  }
0xf: {  	s9 =	sadd.s32 $0x10000, s5;
	s18 =	sadd.s32 s19, s18;
	s19 =	sor.u32 $0x1C02, s31  }
0x10: {  	v0 =	vimm.f32 $0.0e+00;
	s20 =	sshrl.u32 s5, $0x3;
	s10 =	sadd.s32 $0x5AA00, s11;
	s11 =	sadd.s32 $0x1A00, s11  }
.LBB2_1:
0x11: {  	s22 =	sand.u32 $0xFE00, s4  }
0x12: {  	s23 =	sand.u32 $0x70, s4;
	s24 =	sshrl.u32 s22, $0x2  }
0x13: {  	s22 =	simm.s32 $0x40;
	s24 =	sor.u32 s23, s24;
	s23 =	simm.s32 $0x0  }
.LBB2_2:
0x14: {  	p0 =	sne.s32 s22, $0xFFC0  }
0x15: {  	[tilespmem:s24+$0x5000] =	vst v0;
	s23 =	sadd.s32 $0x10, s23;
	s24 =	smov.u32 s22;
	s22 =	sadd.s32 $0x40, s22  }
.Ltmp0:
0x16: {  	(pc) =	sbr.rel @p0 .LBB2_2-.Ltmp0, $4  }
0x17: {  	_ = 	snop  }
0x18: {  	s24 =	sand.u32 $0xFE00, s24  }
0x19: {  	s25 =	sand.u32 $0x70, s23;
	s24 =	sshrl.u32 s24, $0x2  }
0x1a: {  	s24 =	sor.u32 s25, s24  }
0x1b: {  	[tilespmem:s24+$0x5000] =	vst v0  }
0x1c: {  	[spmem:s5] =	stream.linear.scatter [tilespmem:s13], [sflag:$0x2], $0x4000, $0x38;
	[tilespmem:$0x1CC00] =	vst v63  }
0x1d: {  	_ =	swait.ge [sflag:s14], $0x4000  }
0x1e: {  	[sflag:s14] =	ssyncset.done $0x0  }
0x1f: {  	[sflag:s14] =	ssyncadd.s32 $0xFFFFC000  }
0x20: {  	[spmem:s6] =	stream.linear.scatter [tilespmem:s13], [sflag:$0x2], $0x4000, $0x38;
	[tilespmem:$0x1CC00] =	vst v63  }
0x21: {  	_ =	swait.ge [sflag:s14], $0x4000  }
0x22: {  	[sflag:s14] =	ssyncset.done $0x0  }
0x23: {  	[sflag:s14] =	ssyncadd.s32 $0xFFFFC000  }
0x24: {  	[spmem:s7] =	stream.linear.scatter [tilespmem:s13], [sflag:$0x2], $0x4000, $0x38;
	[tilespmem:$0x1CC00] =	vst v63  }
0x25: {  	_ =	swait.ge [sflag:s14], $0x4000  }
0x26: {  	[sflag:s14] =	ssyncset.done $0x0  }
0x27: {  	[sflag:s14] =	ssyncadd.s32 $0xFFFFC000  }
0x28: {  	[spmem:s8] =	stream.linear.scatter [tilespmem:s13], [sflag:$0x2], $0x4000, $0x38;
	[tilespmem:$0x1CC00] =	vst v63  }
0x29: {  	_ =	swait.ge [sflag:s14], $0x4000  }
0x2a: {  	[sflag:s14] =	ssyncset.done $0x0  }
0x2b: {  	[sflag:s14] =	ssyncadd.s32 $0xFFFFC000  }
0x2c: {  	[spmem:s9] =	stream.linear.scatter [tilespmem:s13], [sflag:$0x2], $0x3C00, $0x38;
	[tilespmem:$0x1CC00] =	vst v63  }
0x2d: {  	_ =	swait.ge [sflag:s14], $0x3C00  }
0x2e: {  	[sflag:s14] =	ssyncset.done $0x0  }
0x2f: {  	[sflag:s14] =	ssyncadd.s32 $0xFFFFC400  }
0x30: {  	s22 =	simm.s32 $0x0;
	[bflag:$0x0] =	sbarrier.arrive $0xFFFF  }
0x31: {  	[tilespmem:s22], [sflag:$0x2] =	stream.linear.gather [hbm4b:s10+s22], $0x2780, $0x38;
	[tilespmem:$0x1CC00] =	vst v63  }
0x32: {  	_ =	swait.ge [sflag:s14], $0x2780  }
0x33: {  	[sflag:s14] =	ssyncset.done $0x0  }
0x34: {  	[sflag:s14] =	ssyncadd.s32 $0xFFFFD880  }
0x35: {  	[tilespmem:s15], [sflag:$0x2] =	stream.linear.gather [hbm4b:s11+s22], $0x2780, $0x38;
	[tilespmem:$0x1CC00] =	vst v63  }
0x36: {  	_ =	swait.ge [sflag:s14], $0x2780  }
0x37: {  	[sflag:s14] =	ssyncset.done $0x0  }
0x38: {  	s30 =	simm.s32 $0x0;
	[sflag:s14] =	ssyncadd.s32 $0xFFFFD880  }
0x39: {  	[tilespmem:s13], [sflag:$0x1] =	stream.indirect.gather [hbm4b:s1+s16], $0x80, s30, s16, $0xb8;
	[tilespmem:$0x1CC00] =	vst v63  }
0x3a: {  	_ =	swait.ge [sflag:s17], $0x4000  }
0x3b: {  	[sflag:s17] =	ssyncset.done $0x0  }
0x3c: {  	s31 =	simm.s32 $0x2800;
	[sflag:s17] =	ssyncadd.s32 $0xFFFFC000  }
0x3d: {  	[spmem:s2] =	stream.indirect.scatter.add.f32 [tilespmem:s13], [sflag:$0x2], $0x80, s31, s16, $0xb8;
	[tilespmem:$0x1CC00] =	vst v63  }
0x3e: {  	_ =	swait.ge [sflag:s14], $0x4000  }
0x3f: {  	s23 =	simm.s32 $0x400;
	s22 =	simm.s32 $0x200;
	[sflag:s14] =	ssyncset.done $0x0  }
.LBB2_4:
0x40: {  	s24 =	sshra.s32 s22, $0x2  }
0x41: {  	[sflag:s14] =	ssyncadd.s32 $0xFFFFC000;
	s22 =	smov.u32 s23;
	s25 =	sadd.s32 $0x200, s23  }
0x42: {  	[tilespmem:s13], [sflag:$0x1] =	stream.indirect.gather [hbm4b:s1+s16], $0x80, s24, s16, $0xb8;
	[tilespmem:$0x1CC00] =	vst v63  }
0x43: {  	p0 =	sne.s32 s23, $0x9C00;
	_ =	swait.ge [sflag:s17], $0x4000  }
.Ltmp1:
0x44: {  	[sflag:s17] =	ssyncset.done $0x0;
	(pc) =	sbr.rel @p0 .LBB2_4-.Ltmp1, $4  }
0x45: {  	s23 =	sadd.s32 $0x2800, s24;
	[sflag:s17] =	ssyncadd.s32 $0xFFFFC000  }
0x46: {  	[spmem:s2] =	stream.indirect.scatter.add.f32 [tilespmem:s13], [sflag:$0x2], $0x80, s23, s16, $0xb8;
	[tilespmem:$0x1CC00] =	vst v63  }
0x47: {  	_ =	swait.ge [sflag:s14], $0x4000  }
0x48: {  	s23 =	smov.u32 s25;
	[sflag:s14] =	ssyncset.done $0x0  }
0x49: {  	s22 =	sshra.s32 s22, $0x2;
	[sflag:s14] =	ssyncadd.s32 $0xFFFFC000  }
0x4a: {  	[tilespmem:s13], [sflag:$0x1] =	stream.indirect.gather [hbm4b:s1+s16], $0x80, s22, s16, $0xb8;
	[tilespmem:$0x1CC00] =	vst v63  }
0x4b: {  	_ =	swait.ge [sflag:s17], $0x4000  }
0x4c: {  	[sflag:s17] =	ssyncset.done $0x0  }
0x4d: {  	s22 =	sadd.s32 $0x2800, s22;
	[sflag:s17] =	ssyncadd.s32 $0xFFFFC000  }
0x4e: {  	[spmem:s2] =	stream.indirect.scatter.add.f32 [tilespmem:s13], [sflag:$0x2], $0x80, s22, s16, $0xb8;
	[tilespmem:$0x1CC00] =	vst v63  }
0x4f: {  	_ =	swait.ge [sflag:s14], $0x4000  }
0x50: {  	s21 =	sadd.s32 $0x1, s21;
	[sflag:s14] =	ssyncset.done $0x0  }
0x51: {  	p0 =	sne.s32 s21, s12;
	[sflag:s14] =	ssyncadd.s32 $0xFFFFC000  }
.Ltmp2:
0x52: {  	[bflag:$0x0] =	sbarrier.arrive $0xFFFF;
	(pc) =	sbr.rel @p0 .LBB2_1-.Ltmp2, $4  }
0x53: {  	[hbm:s18], [sflag:s19] =	dma.local [spmem:s20], $0x2780  }
0x54: {  	_ =	swait.ge [sflag:s14], $0x2780  }
0x55: {  	[sflag:s14] =	ssyncset.done $0x0  }
0x56: {  	[sflag:s14] =	ssyncadd.s32 $0xFFFFD880  }
0x57: {  	_ =	sfence.sel $0x180000  }
0x58: {  	[bflag:$0x0] =	sbarrier.arrive $0xFFFF  }
0x59: {  	p0 =	sne.s32 s3, $0x0;
	_ =	strace $0x9000004A  }
0x5a: {  	s0 =	sadd.s32 @!p0 $0x100000, s0;
	[bflag:$0x2] =	sbarrier.arrive $0xFFFF  }
0x5b: {  	[sflag:s0] =	ssyncadd.tile.s32 @!p0 $0x1;
	_ =	shalt  }
.Lfunc_end2:
_tile_overlayer_lowered:
.L_overlay_start_2:
0x5c: {  	(tag) =	ssettag $0x2  }
0x5d: {  	s0 =	rddreg [dreg:$0x0];
	s2 =	stileid.u32  }
0x5e: {  	s1 =	rddreg [dreg:$0x1];
	p0 =	sne.s32 s2, $0x0  }
0x5f: {  	s3 =	rddreg [dreg:$0x2];
	[bflag:$0x3] =	sbarrier.arrive $0xFFFF;
	s2 =	simm.s32 @!p0 $0x1C02  }
0x60: {  	[timem:s3], [sflag:s2] =	dma.local @!p0 [hbm:s0], s1  }
0x61: {  	s0 =	simm.s32 @!p0 $0x2  }
0x62: {  	_ =	swait.ge @!p0 [sflag:s0], s1  }
0x63: {  	s1 =	ssub.s32 @!p0 $0x0, s1;
	[sflag:s0] =	ssyncset.done @!p0 $0x0  }
0x64: {  	[sflag:s0] =	ssyncadd.s32 @!p0 s1  }
0x65: {  	[bflag:$0x3] =	sbarrier.arrive $0xFFFF  }
0x66: {  	_ =	shalt  }

// kernel: kernel.14.cloned.1.call-start
scs
__scs_entry_jumppad:
0x0: {  	(pc) =	sbr.rel $0x88, $3  }
0x1: {  	(tag) =	ssettag $0x0;
	lr =	simm.s32 $0x1  }
0x2: {  	[smem:$0x3F9D] =	sst lr;
	_ =	strace $0xD0000000  }
0x3: {  	_ = 	snop  }
0x4: {  	_ = 	snop  }
0x5: {  	_ = 	snop  }
0x6: {  	_ = 	snop  }
0x7: {  	_ = 	snop  }
__scs_overlays_trampoline_lowered:
0x8: {  	[smem:$0x3FAC] =	sst s0  }
0x9: {  	[smem:$0x3FAD] =	sst s1  }
0xa: {  	[smem:$0x3FAE] =	sst s2  }
0xb: {  	[smem:$0x3FAF] =	sst s3  }
0xc: {  	[smem:$0x3FB0] =	sst s4  }
0xd: {  	[smem:$0x3FB1] =	sst s5  }
0xe: {  	[smem:$0x3FB2] =	sst s6  }
0xf: {  	[smem:$0x3FB3] =	sst s7  }
0x10: {  	[smem:$0x3FB4] =	sst s8  }
0x11: {  	[smem:$0x3FB5] =	sst s9;
	s0 =	simm.s32 @!p0 $0x0  }
0x12: {  	s1 =	sld [smem:$0x3F9B];
	s0 =	simm.s32 @p0 $0x1  }
0x13: {  	[smem:$0x3FB6] =	sst s0;
	s0 =	simm.s32 @!p1 $0x0  }
0x14: {  	s2 =	sld [smem:$0x3F9A];
	s0 =	simm.s32 @p1 $0x1  }
0x15: {  	[smem:$0x3FB7] =	sst s0;
	s0 =	simm.s32 @!p2 $0x0  }
0x16: {  	s3 =	sld [smem:$0x3FDB];
	s0 =	simm.s32 @p2 $0x1  }
0x17: {  	s4 =	simm.s32 $0x1BF5;
	[smem:$0x3FB9] =	sst s0  }
0x18: {  	s0 =	sld [smem:$0x3F9C];
	_ =	swait.ge [sflag:s4], $0x0  }
0x19: {  	s7 =	sld [smem:$0x3F9D]  }
0x1a: {  	s8 =	sadd.s32 $0xFFFFE003, lr  }
0x1b: {  	s9 =	sadd.s32 $0xFFFFFEF7, lr;
	s5 =	simm.s32 $0xFFFFFFFF;
	p2 =	slt.u32 s8, $0xFFFFF086  }
0x1c: {  	p1 =	slt.u32 s9, $0xF7A;
	s5 =	simm.s32 @!p2 $0x0  }
0x1d: {  	s5 =	simm.s32 @p1 $0x1;
	p0 =	seq.s32 s7, s2  }
0x1e: {  	s7 =	smul.u32 @!p0 $0xF7A, s2;
	p2 =	seq.s32 @!p0 s5, $0x0  }
0x1f: {  	s9 =	smul.u32 $0xF7A, s1;
	s8 =	simm.s32 @!p0 $0x1BF5;
	p2 =	por !p2, p0  }
0x20: {  	[sflag:s8] =	ssyncset.s32 @!p0 $0xFFFFF086;
	s6 =	sadd.s32 @!p0 s3, s7;
	s7 =	simm.s32 @!p0 $0x108  }
0x21: {  	s3 =	sadd.s32 s3, s9;
	s6 =	sadd.s32 @!p0 $0x88, s6;
	s7 =	simm.s32 @p2 $0x1082  }
0x22: {  	[simem:s7], [sflag:s8] =	dma.local @!p0 [hbm:s6], $0xF7A  }
0x23: {  	s9 =	sor.u32 $0xD0000000, s2;
	s6 =	simm.s32 $0x108;
	_ =	swait.ge @!p0 [sflag:s8], $0x0  }
0x24: {  	s3 =	sadd.s32 $0x88, s3;
	s6 =	simm.s32 @!p1 $0x1082;
	[sflag:s4] =	ssyncset.s32 $0xFFFFF086  }
0x25: {  	[simem:s6], [sflag:s4] =	dma.local [hbm:s3], $0xF7A  }
0x26: {  	[smem:$0x3F9D] =	sst s1;
	(tag) =	ssettag s2;
	_ =	strace s9  }
0x27: {  	s1 =	sld [smem:$0x3FAD]  }
0x28: {  	s2 =	sld [smem:$0x3FAE]  }
0x29: {  	s4 =	sld [smem:$0x3FB0]  }
0x2a: {  	p0 =	seq.s32 s5, $0x0;
	s5 =	sld [smem:$0x3FB1]  }
0x2b: {  	s6 =	sld [smem:$0x3FB2]  }
0x2c: {  	s7 =	sld [smem:$0x3FB3]  }
0x2d: {  	s3 =	simm.s32 $0x108;
	s8 =	sld [smem:$0x3FB4]  }
0x2e: {  	s3 =	simm.s32 @!p0 $0x1082;
	s9 =	sld [smem:$0x3FB5]  }
0x2f: {  	lr =	sadd.s32 s0, s3;
	s0 =	sld [smem:$0x3FAC]  }
0x30: {  	s3 =	sld [smem:$0x3FAF]  }
0x31: {  	[smem:$0x3FB8] =	sst s10  }
0x32: {  	s10 =	sld [smem:$0x3FB6];
	_ =	sdelay $0x3  }
0x33: {  	p0 =	seq.s32 s10, $0x1;
	s10 =	sld [smem:$0x3FB8];
	_ =	sdelay $0x3  }
0x34: {  	[smem:$0x3FB8] =	sst s10  }
0x35: {  	s10 =	sld [smem:$0x3FB7];
	_ =	sdelay $0x3  }
0x36: {  	p1 =	seq.s32 s10, $0x1;
	s10 =	sld [smem:$0x3FB8];
	_ =	sdelay $0x3  }
0x37: {  	[smem:$0x3FB8] =	sst s10  }
0x38: {  	s10 =	sld [smem:$0x3FB9]  }
0x39: {  	_ = 	snop;
	(pc) =	sbr.ind lr, $3  }
0x3a: {  	_ = 	snop  }
0x3b: {  	_ = 	snop  }
0x3c: {  	p2 =	seq.s32 s10, $0x1;
	s10 =	sld [smem:$0x3FB8]  }
0x3d: {  	_ =	shalt  }
0x3e: {  	_ =	shalt  }
0x3f: {  	_ =	shalt  }
0x40: {  	_ =	shalt  }
0x41: {  	_ =	shalt  }
0x42: {  	_ =	shalt  }
0x43: {  	_ =	shalt  }
0x44: {  	_ =	shalt  }
0x45: {  	_ =	shalt  }
0x46: {  	_ =	shalt  }
0x47: {  	_ =	shalt  }
0x48: {  	_ =	shalt  }
0x49: {  	_ =	shalt  }
0x4a: {  	_ =	shalt  }
0x4b: {  	_ =	shalt  }
0x4c: {  	_ =	shalt  }
0x4d: {  	_ =	shalt  }
0x4e: {  	_ =	shalt  }
0x4f: {  	_ =	shalt  }
0x50: {  	_ =	shalt  }
0x51: {  	_ =	shalt  }
0x52: {  	_ =	shalt  }
0x53: {  	_ =	shalt  }
0x54: {  	_ =	shalt  }
0x55: {  	_ =	shalt  }
0x56: {  	_ =	shalt  }
0x57: {  	_ =	shalt  }
0x58: {  	_ =	shalt  }
0x59: {  	_ =	shalt  }
0x5a: {  	_ =	shalt  }
0x5b: {  	_ =	shalt  }
0x5c: {  	_ =	shalt  }
0x5d: {  	_ =	shalt  }
0x5e: {  	_ =	shalt  }
0x5f: {  	_ =	shalt  }
0x60: {  	_ =	shalt  }
0x61: {  	_ =	shalt  }
0x62: {  	_ =	shalt  }
0x63: {  	_ =	shalt  }
0x64: {  	_ =	shalt  }
0x65: {  	_ =	shalt  }
0x66: {  	_ =	shalt  }
0x67: {  	_ =	shalt  }
0x68: {  	_ =	shalt  }
0x69: {  	_ =	shalt  }
0x6a: {  	_ =	shalt  }
0x6b: {  	_ =	shalt  }
0x6c: {  	_ =	shalt  }
0x6d: {  	_ =	shalt  }
0x6e: {  	_ =	shalt  }
0x6f: {  	_ =	shalt  }
0x70: {  	_ =	shalt  }
0x71: {  	_ =	shalt  }
0x72: {  	_ =	shalt  }
0x73: {  	_ =	shalt  }
0x74: {  	_ =	shalt  }
0x75: {  	_ =	shalt  }
0x76: {  	_ =	shalt  }
0x77: {  	_ =	shalt  }
0x78: {  	_ =	shalt  }
0x79: {  	_ =	shalt  }
0x7a: {  	_ =	shalt  }
0x7b: {  	_ =	shalt  }
0x7c: {  	_ =	shalt  }
0x7d: {  	_ =	shalt  }
0x7e: {  	_ =	shalt  }
0x7f: {  	_ =	shalt  }
0x80: {  	_ =	shalt  }
0x81: {  	_ =	shalt  }
0x82: {  	_ =	shalt  }
0x83: {  	_ =	shalt  }
0x84: {  	_ =	shalt  }
0x85: {  	_ =	shalt  }
0x86: {  	_ =	shalt  }
0x87: {  	_ =	shalt  }
.Lfunc_end0:
.L_simem_size_0:
called_computation.2_lowered:
.L_overlay_start_0:
0x88: {  	s2 =	sld [smem:$0x3FD9]  }
0x89: {  	s3 =	sld [smem:$0x3FFE];
	_ =	sdelay $0x1  }
0x8a: {  	s1 =	srdreg.scid  }
0x8b: {  	s0 =	sand.u32 $0x1, s1  }
0x8c: {  	s17 =	sshll.u32 s0, $0xA;
	s2 =	sadd.s32 s3, s2  }
0x8d: {  	s2 =	sadd.s32 s2, s17  }
0x8e: {  	[smem:$0x3FC4] =	sst s2  }
0x8f: {  	_ = 	snop  }
0x90: {  	s2 =	sld [smem:$0x3FD0];
	(tm) =	ssettm $0x1  }
0x91: {  	s18 =	sld [smem:$0x3FFB];
	_ =	sdelay $0x3  }
0x92: {  	_ =	strace s18  }
0x93: {  	s3 =	sld [smem:$0x3FFC];
	_ =	sdelay $0x3  }
0x94: {  	_ =	strace s3  }
0x95: {  	s3 =	sld [smem:$0x3FFD];
	_ =	sdelay $0x3  }
0x96: {  	_ =	strace s3  }
0x97: {  	_ =	strace $0x8FFFFFFF  }
0x98: {  	s19 =	sld [smem:$0x3FDB];
	_ =	sdelay $0x1  }
0x99: {  	s4 =	simm.s32 $_scs_section_size  }
0x9a: {  	s5 =	simm.s32 $_size__tile_overlayer_lowered;
	s6 =	simm.s32 $_tile_overlayer_lowered  }
0x9b: {  	s22 =	simm.s32 $0x1BFF;
	s21 =	sshll.u32 s6, $0x1;
	s3 =	sadd.s32 s4, s19  }
0x9c: {  	s7 =	simm.s32 $0x0;
	s20 =	sshll.u32 s5, $0x1;
	s5 =	sadd.s32 s21, s3  }
0x9d: {  	[timem:s7], [sflag:s22] =	dma.local [hbm:s5], s20  }
0x9e: {  	_ =	swait.ge [sflag:s22], s20  }
0x9f: {  	s4 =	ssub.s32 $0x0, s20;
	[sflag:s22] =	ssyncset.done $0x0  }
0xa0: {  	[sflag:s22] =	ssyncadd.s32 s4;
	_ =	sdelay $0x1  }
0xa1: {  	s23 =	simm.s32 $0x1B8B  }
0xa2: {  	_ =	swait.ge [sflag:s23], $0x1  }
0xa3: {  	[sflag:s23] =	ssyncset.done $0x0  }
0xa4: {  	s25 =	simm.s32 $0x1B8E;
	s24 =	sld [smem:$0x3FFE];
	[sflag:s23] =	ssyncadd.s32 $0xFFFFFFFF  }
0xa5: {  	s26 =	simm.s32 $execute0_lowered;
	[smem:$0x3FD2] =	sst s25  }
0xa6: {  	s5 =	sshll.u32 s26, $0x1;
	_ =	strace $0x8000004C;
	[dreg:$0x1] =	wrdreg $0xFFFFFFFF  }
0xa7: {  	s28 =	simm.s32 $_size_execute0_lowered;
	s3 =	sadd.s32 s3, s5;
	[dreg:$0x0] =	wrdreg $0x0  }
0xa8: {  	s5 =	sshll.u32 s28, $0x1;
	[dreg:$0x2] =	wrdreg s3  }
0xa9: {  	[dreg:$0x3] =	wrdreg s5  }
0xaa: {  	[dreg:$0x4] =	wrdreg $0xC0  }
0xab: {  	_ =	task [dreg:s7], $0x5FFFF  }
0xac: {  	[dreg:$0x1] =	wrdreg $0xFFFFFFFF  }
0xad: {  	[dreg:$0x0] =	wrdreg $0x60  }
0xae: {  	[dreg:$0x2] =	wrdreg s2  }
0xaf: {  	[dreg:$0x3] =	wrdreg s24  }
0xb0: {  	[dreg:$0x4] =	wrdreg $0x90000  }
0xb1: {  	[dreg:$0x5] =	wrdreg $0x9  }
0xb2: {  	_ =	task.clear_ibuf [dreg:s7], $0x6FFFF;
	_ =	strace $0x9000004C  }
0xb3: {  	s29 =	simm.s32 $0x9;
	_ =	strace $0x8000004E  }
0xb4: {  	_ =	swait.ge [sflag:s29], $0x1  }
0xb5: {  	[sflag:s29] =	ssyncadd.s32 $0xFFFFFFFF  }
0xb6: {  	_ =	strace $0x9000004E  }
0xb7: {  	_ =	sfence  }
0xb8: {  	s30 =	sld [smem:$0x0];
	_ =	sdelay $0x2  }
0xb9: {  	s31 =	sshll.u32 s1, $0xD;
	s1 =	sshrl.u32 s1, $0x2  }
0xba: {  	s3 =	sand.u32 $0x4000, s31;
	s1 =	sadd.s32 s1, s30  }
0xbb: {  	s0 =	sor.u32 s3, s0;
	s1 =	sshll.u32 s1, $0x11  }
0xbc: {  	s0 =	sor.u32 s1, s0  }
0xbd: {  	s0 =	sadd.s32 $0x8F2B, s0  }
0xbe: {  	[sflag:s0] =	ssyncadd.remote.s32 $0x1  }
0xbf: {  	_ =	sfence.sel $0xFFFF  }
0xc0: {  	[dreg:$0x0] =	wrdreg $0xFFFFFFFF;
	(pc) =	sbr.abs _section_cstart, $3  }
0xc1: {  	[dreg:$0x1] =	wrdreg $0xFFFFFFFF  }
0xc2: {  	_ =	task.clear_ibuf [dreg:s7], $0x2FFFF;
	_ =	strace $0x9FFFFFFF  }
0xc3: {  	(tm) =	ssettm $0x7FFFFFFF  }
tec
execute0_lowered:
.L_overlay_start_1:
0x0: {  	(tag) =	ssettag $0x1  }
0x1: {  	s1 =	rddreg [dreg:$0x0]  }
0x2: {  	s6 =	rddreg [dreg:$0x1]  }
0x3: {  	s2 =	rddreg [dreg:$0x2]  }
0x4: {  	s3 =	srdreg.scid;
	s0 =	rddreg [dreg:$0x3]  }
0x5: {  	s4 =	simm.s32 $0x0;
	s14 =	simm.s32 $0x2;
	s15 =	simm.s32 $0x2800  }
0x6: {  	s16 =	simm.s32 $0x80;
	s5 =	sand.u32 $0x1, s3;
	s3 =	stileid.u32  }
0x7: {  	s17 =	simm.s32 $0x1;
	s21 =	simm.s32 $0x0;
	s8 =	smul.u32 $0x4F000, s3  }
0x8: {  	[smem:$0x7FF] =	sst s4;
	s7 =	sshll.u32 s5, $0x4;
	s9 =	smul.u32 $0x27800, s5  }
0x9: {  	_ =	strace $0x8000004D;
	s10 =	ssub.s32 $0x2, s5;
	s19 =	smul.u32 $0x2780, s3  }
0xa: {  	s31 =	sshll.u32 s3, $0x6;
	s7 =	sor.u32 s3, s7;
	s30 =	sshrl.u32 s10, $0x1  }
0xb: {  	s7 =	smul.u32 $0x500, s7;
	s29 =	sshrl.u32 s8, $0x2;
	s12 =	sadd.s32 s9, s6  }
0xc: {  	s13 =	ssub.s32 s10, s30;
	s5 =	sadd.s32 s29, s2;
	s18 =	sadd.s32 $0xBA00, s12  }
0xd: {  	s12 =	smax.u32 s13, $0x1;
	s13 =	simm.s32 $0x5000;
	s11 =	sadd.s32 s7, s6  }
0xe: {  	s6 =	sadd.s32 $0x4000, s5;
	s7 =	sadd.s32 $0x8000, s5;
	s8 =	sadd.s32 $0xC000, s5  }
0xf: {  	s9 =	sadd.s32 $0x10000, s5;
	s18 =	sadd.s32 s19, s18;
	s19 =	sor.u32 $0x1C02, s31  }
0x10: {  	v0 =	vimm.f32 $0.0e+00;
	s20 =	sshrl.u32 s5, $0x3;
	s10 =	sadd.s32 $0x5AA00, s11;
	s11 =	sadd.s32 $0x1A00, s11  }
.LBB2_1:
0x11: {  	s22 =	sand.u32 $0xFE00, s4  }
0x12: {  	s23 =	sand.u32 $0x70, s4;
	s24 =	sshrl.u32 s22, $0x2  }
0x13: {  	s22 =	simm.s32 $0x40;
	s24 =	sor.u32 s23, s24;
	s23 =	simm.s32 $0x0  }
.LBB2_2:
0x14: {  	p0 =	sne.s32 s22, $0xFFC0  }
0x15: {  	[tilespmem:s24+$0x5000] =	vst v0;
	s23 =	sadd.s32 $0x10, s23;
	s24 =	smov.u32 s22;
	s22 =	sadd.s32 $0x40, s22  }
.Ltmp0:
0x16: {  	(pc) =	sbr.rel @p0 .LBB2_2-.Ltmp0, $4  }
0x17: {  	_ = 	snop  }
0x18: {  	s24 =	sand.u32 $0xFE00, s24  }
0x19: {  	s25 =	sand.u32 $0x70, s23;
	s24 =	sshrl.u32 s24, $0x2  }
0x1a: {  	s24 =	sor.u32 s25, s24  }
0x1b: {  	[tilespmem:s24+$0x5000] =	vst v0  }
0x1c: {  	[spmem:s5] =	stream.linear.scatter [tilespmem:s13], [sflag:$0x2], $0x4000, $0x38;
	[tilespmem:$0x1CC00] =	vst v63  }
0x1d: {  	_ =	swait.ge [sflag:s14], $0x4000  }
0x1e: {  	[sflag:s14] =	ssyncset.done $0x0  }
0x1f: {  	[sflag:s14] =	ssyncadd.s32 $0xFFFFC000  }
0x20: {  	[spmem:s6] =	stream.linear.scatter [tilespmem:s13], [sflag:$0x2], $0x4000, $0x38;
	[tilespmem:$0x1CC00] =	vst v63  }
0x21: {  	_ =	swait.ge [sflag:s14], $0x4000  }
0x22: {  	[sflag:s14] =	ssyncset.done $0x0  }
0x23: {  	[sflag:s14] =	ssyncadd.s32 $0xFFFFC000  }
0x24: {  	[spmem:s7] =	stream.linear.scatter [tilespmem:s13], [sflag:$0x2], $0x4000, $0x38;
	[tilespmem:$0x1CC00] =	vst v63  }
0x25: {  	_ =	swait.ge [sflag:s14], $0x4000  }
0x26: {  	[sflag:s14] =	ssyncset.done $0x0  }
0x27: {  	[sflag:s14] =	ssyncadd.s32 $0xFFFFC000  }
0x28: {  	[spmem:s8] =	stream.linear.scatter [tilespmem:s13], [sflag:$0x2], $0x4000, $0x38;
	[tilespmem:$0x1CC00] =	vst v63  }
0x29: {  	_ =	swait.ge [sflag:s14], $0x4000  }
0x2a: {  	[sflag:s14] =	ssyncset.done $0x0  }
0x2b: {  	[sflag:s14] =	ssyncadd.s32 $0xFFFFC000  }
0x2c: {  	[spmem:s9] =	stream.linear.scatter [tilespmem:s13], [sflag:$0x2], $0x3C00, $0x38;
	[tilespmem:$0x1CC00] =	vst v63  }
0x2d: {  	_ =	swait.ge [sflag:s14], $0x3C00  }
0x2e: {  	[sflag:s14] =	ssyncset.done $0x0  }
0x2f: {  	[sflag:s14] =	ssyncadd.s32 $0xFFFFC400  }
0x30: {  	s22 =	simm.s32 $0x0;
	[bflag:$0x0] =	sbarrier.arrive $0xFFFF  }
0x31: {  	[tilespmem:s22], [sflag:$0x2] =	stream.linear.gather [hbm4b:s10+s22], $0x2780, $0x38;
	[tilespmem:$0x1CC00] =	vst v63  }
0x32: {  	_ =	swait.ge [sflag:s14], $0x2780  }
0x33: {  	[sflag:s14] =	ssyncset.done $0x0  }
0x34: {  	[sflag:s14] =	ssyncadd.s32 $0xFFFFD880  }
0x35: {  	[tilespmem:s15], [sflag:$0x2] =	stream.linear.gather [hbm4b:s11+s22], $0x2780, $0x38;
	[tilespmem:$0x1CC00] =	vst v63  }
0x36: {  	_ =	swait.ge [sflag:s14], $0x2780  }
0x37: {  	[sflag:s14] =	ssyncset.done $0x0  }
0x38: {  	s30 =	simm.s32 $0x0;
	[sflag:s14] =	ssyncadd.s32 $0xFFFFD880  }
0x39: {  	[tilespmem:s13], [sflag:$0x1] =	stream.indirect.gather [hbm4b:s1+s16], $0x80, s30, s16, $0xb8;
	[tilespmem:$0x1CC00] =	vst v63  }
0x3a: {  	_ =	swait.ge [sflag:s17], $0x4000  }
0x3b: {  	[sflag:s17] =	ssyncset.done $0x0  }
0x3c: {  	s31 =	simm.s32 $0x2800;
	[sflag:s17] =	ssyncadd.s32 $0xFFFFC000  }
0x3d: {  	[spmem:s2] =	stream.indirect.scatter.add.f32 [tilespmem:s13], [sflag:$0x2], $0x80, s31, s16, $0xb8;
	[tilespmem:$0x1CC00] =	vst v63  }
0x3e: {  	_ =	swait.ge [sflag:s14], $0x4000  }
0x3f: {  	s23 =	simm.s32 $0x400;
	s22 =	simm.s32 $0x200;
	[sflag:s14] =	ssyncset.done $0x0  }
.LBB2_4:
0x40: {  	s24 =	sshra.s32 s22, $0x2  }
0x41: {  	[sflag:s14] =	ssyncadd.s32 $0xFFFFC000;
	s22 =	smov.u32 s23;
	s25 =	sadd.s32 $0x200, s23  }
0x42: {  	[tilespmem:s13], [sflag:$0x1] =	stream.indirect.gather [hbm4b:s1+s16], $0x80, s24, s16, $0xb8;
	[tilespmem:$0x1CC00] =	vst v63  }
0x43: {  	p0 =	sne.s32 s23, $0x9C00;
	_ =	swait.ge [sflag:s17], $0x4000  }
.Ltmp1:
0x44: {  	[sflag:s17] =	ssyncset.done $0x0;
	(pc) =	sbr.rel @p0 .LBB2_4-.Ltmp1, $4  }
0x45: {  	s23 =	sadd.s32 $0x2800, s24;
	[sflag:s17] =	ssyncadd.s32 $0xFFFFC000  }
0x46: {  	[spmem:s2] =	stream.indirect.scatter.add.f32 [tilespmem:s13], [sflag:$0x2], $0x80, s23, s16, $0xb8;
	[tilespmem:$0x1CC00] =	vst v63  }
0x47: {  	_ =	swait.ge [sflag:s14], $0x4000  }
0x48: {  	s23 =	smov.u32 s25;
	[sflag:s14] =	ssyncset.done $0x0  }
0x49: {  	s22 =	sshra.s32 s22, $0x2;
	[sflag:s14] =	ssyncadd.s32 $0xFFFFC000  }
0x4a: {  	[tilespmem:s13], [sflag:$0x1] =	stream.indirect.gather [hbm4b:s1+s16], $0x80, s22, s16, $0xb8;
	[tilespmem:$0x1CC00] =	vst v63  }
0x4b: {  	_ =	swait.ge [sflag:s17], $0x4000  }
0x4c: {  	[sflag:s17] =	ssyncset.done $0x0  }
0x4d: {  	s22 =	sadd.s32 $0x2800, s22;
	[sflag:s17] =	ssyncadd.s32 $0xFFFFC000  }
0x4e: {  	[spmem:s2] =	stream.indirect.scatter.add.f32 [tilespmem:s13], [sflag:$0x2], $0x80, s22, s16, $0xb8;
	[tilespmem:$0x1CC00] =	vst v63  }
0x4f: {  	_ =	swait.ge [sflag:s14], $0x4000  }
0x50: {  	s21 =	sadd.s32 $0x1, s21;
	[sflag:s14] =	ssyncset.done $0x0  }
0x51: {  	p0 =	sne.s32 s21, s12;
	[sflag:s14] =	ssyncadd.s32 $0xFFFFC000  }
.Ltmp2:
0x52: {  	[bflag:$0x0] =	sbarrier.arrive $0xFFFF;
	(pc) =	sbr.rel @p0 .LBB2_1-.Ltmp2, $4  }
0x53: {  	[hbm:s18], [sflag:s19] =	dma.local [spmem:s20], $0x2780  }
0x54: {  	_ =	swait.ge [sflag:s14], $0x2780  }
0x55: {  	[sflag:s14] =	ssyncset.done $0x0  }
0x56: {  	[sflag:s14] =	ssyncadd.s32 $0xFFFFD880  }
0x57: {  	_ =	sfence.sel $0x180000  }
0x58: {  	[bflag:$0x0] =	sbarrier.arrive $0xFFFF  }
0x59: {  	p0 =	sne.s32 s3, $0x0;
	_ =	strace $0x9000004D  }
0x5a: {  	s0 =	sadd.s32 @!p0 $0x100000, s0;
	[bflag:$0x2] =	sbarrier.arrive $0xFFFF  }
0x5b: {  	[sflag:s0] =	ssyncadd.tile.s32 @!p0 $0x1;
	_ =	shalt  }
.Lfunc_end2:
_tile_overlayer_lowered:
.L_overlay_start_2:
0x5c: {  	(tag) =	ssettag $0x2  }
0x5d: {  	s0 =	rddreg [dreg:$0x0];
	s2 =	stileid.u32  }
0x5e: {  	s1 =	rddreg [dreg:$0x1];
	p0 =	sne.s32 s2, $0x0  }
0x5f: {  	s3 =	rddreg [dreg:$0x2];
	[bflag:$0x3] =	sbarrier.arrive $0xFFFF;
	s2 =	simm.s32 @!p0 $0x1C02  }
0x60: {  	[timem:s3], [sflag:s2] =	dma.local @!p0 [hbm:s0], s1  }
0x61: {  	s0 =	simm.s32 @!p0 $0x2  }
0x62: {  	_ =	swait.ge @!p0 [sflag:s0], s1  }
0x63: {  	s1 =	ssub.s32 @!p0 $0x0, s1;
	[sflag:s0] =	ssyncset.done @!p0 $0x0  }
0x64: {  	[sflag:s0] =	ssyncadd.s32 @!p0 s1  }
0x65: {  	[bflag:$0x3] =	sbarrier.arrive $0xFFFF  }
0x66: {  	_ =	shalt  }

// kernel: kernel.8.cloned.1.call-start
scs
__scs_entry_jumppad:
0x0: {  	(pc) =	sbr.rel $0x88, $3  }
0x1: {  	(tag) =	ssettag $0x0;
	lr =	simm.s32 $0x1  }
0x2: {  	[smem:$0x3F9D] =	sst lr;
	_ =	strace $0xD0000000  }
0x3: {  	_ = 	snop  }
0x4: {  	_ = 	snop  }
0x5: {  	_ = 	snop  }
0x6: {  	_ = 	snop  }
0x7: {  	_ = 	snop  }
__scs_overlays_trampoline_lowered:
0x8: {  	[smem:$0x3FAC] =	sst s0  }
0x9: {  	[smem:$0x3FAD] =	sst s1  }
0xa: {  	[smem:$0x3FAE] =	sst s2  }
0xb: {  	[smem:$0x3FAF] =	sst s3  }
0xc: {  	[smem:$0x3FB0] =	sst s4  }
0xd: {  	[smem:$0x3FB1] =	sst s5  }
0xe: {  	[smem:$0x3FB2] =	sst s6  }
0xf: {  	[smem:$0x3FB3] =	sst s7  }
0x10: {  	[smem:$0x3FB4] =	sst s8  }
0x11: {  	[smem:$0x3FB5] =	sst s9;
	s0 =	simm.s32 @!p0 $0x0  }
0x12: {  	s1 =	sld [smem:$0x3F9B];
	s0 =	simm.s32 @p0 $0x1  }
0x13: {  	[smem:$0x3FB6] =	sst s0;
	s0 =	simm.s32 @!p1 $0x0  }
0x14: {  	s2 =	sld [smem:$0x3F9A];
	s0 =	simm.s32 @p1 $0x1  }
0x15: {  	[smem:$0x3FB7] =	sst s0;
	s0 =	simm.s32 @!p2 $0x0  }
0x16: {  	s3 =	sld [smem:$0x3FDB];
	s0 =	simm.s32 @p2 $0x1  }
0x17: {  	s4 =	simm.s32 $0x1BF5;
	[smem:$0x3FB9] =	sst s0  }
0x18: {  	s0 =	sld [smem:$0x3F9C];
	_ =	swait.ge [sflag:s4], $0x0  }
0x19: {  	s7 =	sld [smem:$0x3F9D]  }
0x1a: {  	s8 =	sadd.s32 $0xFFFFE003, lr  }
0x1b: {  	s9 =	sadd.s32 $0xFFFFFEF7, lr;
	s5 =	simm.s32 $0xFFFFFFFF;
	p2 =	slt.u32 s8, $0xFFFFF086  }
0x1c: {  	p1 =	slt.u32 s9, $0xF7A;
	s5 =	simm.s32 @!p2 $0x0  }
0x1d: {  	s5 =	simm.s32 @p1 $0x1;
	p0 =	seq.s32 s7, s2  }
0x1e: {  	s7 =	smul.u32 @!p0 $0xF7A, s2;
	p2 =	seq.s32 @!p0 s5, $0x0  }
0x1f: {  	s9 =	smul.u32 $0xF7A, s1;
	s8 =	simm.s32 @!p0 $0x1BF5;
	p2 =	por !p2, p0  }
0x20: {  	[sflag:s8] =	ssyncset.s32 @!p0 $0xFFFFF086;
	s6 =	sadd.s32 @!p0 s3, s7;
	s7 =	simm.s32 @!p0 $0x108  }
0x21: {  	s3 =	sadd.s32 s3, s9;
	s6 =	sadd.s32 @!p0 $0x88, s6;
	s7 =	simm.s32 @p2 $0x1082  }
0x22: {  	[simem:s7], [sflag:s8] =	dma.local @!p0 [hbm:s6], $0xF7A  }
0x23: {  	s9 =	sor.u32 $0xD0000000, s2;
	s6 =	simm.s32 $0x108;
	_ =	swait.ge @!p0 [sflag:s8], $0x0  }
0x24: {  	s3 =	sadd.s32 $0x88, s3;
	s6 =	simm.s32 @!p1 $0x1082;
	[sflag:s4] =	ssyncset.s32 $0xFFFFF086  }
0x25: {  	[simem:s6], [sflag:s4] =	dma.local [hbm:s3], $0xF7A  }
0x26: {  	[smem:$0x3F9D] =	sst s1;
	(tag) =	ssettag s2;
	_ =	strace s9  }
0x27: {  	s1 =	sld [smem:$0x3FAD]  }
0x28: {  	s2 =	sld [smem:$0x3FAE]  }
0x29: {  	s4 =	sld [smem:$0x3FB0]  }
0x2a: {  	p0 =	seq.s32 s5, $0x0;
	s5 =	sld [smem:$0x3FB1]  }
0x2b: {  	s6 =	sld [smem:$0x3FB2]  }
0x2c: {  	s7 =	sld [smem:$0x3FB3]  }
0x2d: {  	s3 =	simm.s32 $0x108;
	s8 =	sld [smem:$0x3FB4]  }
0x2e: {  	s3 =	simm.s32 @!p0 $0x1082;
	s9 =	sld [smem:$0x3FB5]  }
0x2f: {  	lr =	sadd.s32 s0, s3;
	s0 =	sld [smem:$0x3FAC]  }
0x30: {  	s3 =	sld [smem:$0x3FAF]  }
0x31: {  	[smem:$0x3FB8] =	sst s10  }
0x32: {  	s10 =	sld [smem:$0x3FB6];
	_ =	sdelay $0x3  }
0x33: {  	p0 =	seq.s32 s10, $0x1;
	s10 =	sld [smem:$0x3FB8];
	_ =	sdelay $0x3  }
0x34: {  	[smem:$0x3FB8] =	sst s10  }
0x35: {  	s10 =	sld [smem:$0x3FB7];
	_ =	sdelay $0x3  }
0x36: {  	p1 =	seq.s32 s10, $0x1;
	s10 =	sld [smem:$0x3FB8];
	_ =	sdelay $0x3  }
0x37: {  	[smem:$0x3FB8] =	sst s10  }
0x38: {  	s10 =	sld [smem:$0x3FB9]  }
0x39: {  	_ = 	snop;
	(pc) =	sbr.ind lr, $3  }
0x3a: {  	_ = 	snop  }
0x3b: {  	_ = 	snop  }
0x3c: {  	p2 =	seq.s32 s10, $0x1;
	s10 =	sld [smem:$0x3FB8]  }
0x3d: {  	_ =	shalt  }
0x3e: {  	_ =	shalt  }
0x3f: {  	_ =	shalt  }
0x40: {  	_ =	shalt  }
0x41: {  	_ =	shalt  }
0x42: {  	_ =	shalt  }
0x43: {  	_ =	shalt  }
0x44: {  	_ =	shalt  }
0x45: {  	_ =	shalt  }
0x46: {  	_ =	shalt  }
0x47: {  	_ =	shalt  }
0x48: {  	_ =	shalt  }
0x49: {  	_ =	shalt  }
0x4a: {  	_ =	shalt  }
0x4b: {  	_ =	shalt  }
0x4c: {  	_ =	shalt  }
0x4d: {  	_ =	shalt  }
0x4e: {  	_ =	shalt  }
0x4f: {  	_ =	shalt  }
0x50: {  	_ =	shalt  }
0x51: {  	_ =	shalt  }
0x52: {  	_ =	shalt  }
0x53: {  	_ =	shalt  }
0x54: {  	_ =	shalt  }
0x55: {  	_ =	shalt  }
0x56: {  	_ =	shalt  }
0x57: {  	_ =	shalt  }
0x58: {  	_ =	shalt  }
0x59: {  	_ =	shalt  }
0x5a: {  	_ =	shalt  }
0x5b: {  	_ =	shalt  }
0x5c: {  	_ =	shalt  }
0x5d: {  	_ =	shalt  }
0x5e: {  	_ =	shalt  }
0x5f: {  	_ =	shalt  }
0x60: {  	_ =	shalt  }
0x61: {  	_ =	shalt  }
0x62: {  	_ =	shalt  }
0x63: {  	_ =	shalt  }
0x64: {  	_ =	shalt  }
0x65: {  	_ =	shalt  }
0x66: {  	_ =	shalt  }
0x67: {  	_ =	shalt  }
0x68: {  	_ =	shalt  }
0x69: {  	_ =	shalt  }
0x6a: {  	_ =	shalt  }
0x6b: {  	_ =	shalt  }
0x6c: {  	_ =	shalt  }
0x6d: {  	_ =	shalt  }
0x6e: {  	_ =	shalt  }
0x6f: {  	_ =	shalt  }
0x70: {  	_ =	shalt  }
0x71: {  	_ =	shalt  }
0x72: {  	_ =	shalt  }
0x73: {  	_ =	shalt  }
0x74: {  	_ =	shalt  }
0x75: {  	_ =	shalt  }
0x76: {  	_ =	shalt  }
0x77: {  	_ =	shalt  }
0x78: {  	_ =	shalt  }
0x79: {  	_ =	shalt  }
0x7a: {  	_ =	shalt  }
0x7b: {  	_ =	shalt  }
0x7c: {  	_ =	shalt  }
0x7d: {  	_ =	shalt  }
0x7e: {  	_ =	shalt  }
0x7f: {  	_ =	shalt  }
0x80: {  	_ =	shalt  }
0x81: {  	_ =	shalt  }
0x82: {  	_ =	shalt  }
0x83: {  	_ =	shalt  }
0x84: {  	_ =	shalt  }
0x85: {  	_ =	shalt  }
0x86: {  	_ =	shalt  }
0x87: {  	_ =	shalt  }
.Lfunc_end0:
.L_simem_size_0:
called_computation_lowered:
.L_overlay_start_0:
0x88: {  	s2 =	sld [smem:$0x3FD9]  }
0x89: {  	s3 =	sld [smem:$0x3FFE];
	_ =	sdelay $0x1  }
0x8a: {  	s1 =	srdreg.scid  }
0x8b: {  	s0 =	sand.u32 $0x1, s1  }
0x8c: {  	s16 =	sshll.u32 s0, $0xA;
	s2 =	sadd.s32 s3, s2  }
0x8d: {  	s2 =	sadd.s32 s2, s16  }
0x8e: {  	[smem:$0x3FC4] =	sst s2  }
0x8f: {  	_ = 	snop  }
0x90: {  	(tm) =	ssettm $0x1  }
0x91: {  	s17 =	sld [smem:$0x3FFB];
	_ =	sdelay $0x3  }
0x92: {  	_ =	strace s17  }
0x93: {  	s2 =	sld [smem:$0x3FFC];
	_ =	sdelay $0x3  }
0x94: {  	_ =	strace s2  }
0x95: {  	s2 =	sld [smem:$0x3FFD];
	_ =	sdelay $0x3  }
0x96: {  	_ =	strace s2  }
0x97: {  	_ =	strace $0x8FFFFFFF  }
0x98: {  	s18 =	sld [smem:$0x3FDB];
	_ =	sdelay $0x1  }
0x99: {  	s19 =	simm.s32 $_scs_section_size  }
0x9a: {  	s4 =	simm.s32 $_size__tile_overlayer_lowered;
	s5 =	simm.s32 $_tile_overlayer_lowered  }
0x9b: {  	s22 =	simm.s32 $0x1BFF;
	s21 =	sshll.u32 s5, $0x1;
	s2 =	sadd.s32 s19, s18  }
0x9c: {  	s6 =	simm.s32 $0x0;
	s20 =	sshll.u32 s4, $0x1;
	s4 =	sadd.s32 s21, s2  }
0x9d: {  	[timem:s6], [sflag:s22] =	dma.local [hbm:s4], s20  }
0x9e: {  	_ =	swait.ge [sflag:s22], s20  }
0x9f: {  	s3 =	ssub.s32 $0x0, s20;
	[sflag:s22] =	ssyncset.done $0x0  }
0xa0: {  	[sflag:s22] =	ssyncadd.s32 s3;
	_ =	sdelay $0x1  }
0xa1: {  	s23 =	simm.s32 $0x1B8B  }
0xa2: {  	_ =	swait.ge [sflag:s23], $0x1  }
0xa3: {  	[sflag:s23] =	ssyncset.done $0x0  }
0xa4: {  	s25 =	simm.s32 $0x1B8E;
	s24 =	sld [smem:$0x3FFE];
	[sflag:s23] =	ssyncadd.s32 $0xFFFFFFFF  }
0xa5: {  	s26 =	simm.s32 $execute0_lowered;
	[smem:$0x3FD2] =	sst s25  }
0xa6: {  	s4 =	sshll.u32 s26, $0x1;
	_ =	strace $0x80000046;
	[dreg:$0x1] =	wrdreg $0xFFFFFFFF  }
0xa7: {  	s28 =	simm.s32 $_size_execute0_lowered;
	s2 =	sadd.s32 s2, s4;
	[dreg:$0x0] =	wrdreg $0x0  }
0xa8: {  	s4 =	sshll.u32 s28, $0x1;
	[dreg:$0x2] =	wrdreg s2  }
0xa9: {  	[dreg:$0x3] =	wrdreg s4  }
0xaa: {  	[dreg:$0x4] =	wrdreg $0xC0  }
0xab: {  	_ =	task [dreg:s6], $0x5FFFF  }
0xac: {  	[dreg:$0x1] =	wrdreg $0xFFFFFFFF  }
0xad: {  	[dreg:$0x0] =	wrdreg $0x60  }
0xae: {  	[dreg:$0x2] =	wrdreg s24  }
0xaf: {  	[dreg:$0x3] =	wrdreg $0xA8000  }
0xb0: {  	[dreg:$0x4] =	wrdreg $0x9  }
0xb1: {  	_ =	task.clear_ibuf [dreg:s6], $0x5FFFF;
	_ =	strace $0x90000046  }
0xb2: {  	s29 =	simm.s32 $0x9;
	_ =	strace $0x80000048  }
0xb3: {  	_ =	swait.ge [sflag:s29], $0x1  }
0xb4: {  	[sflag:s29] =	ssyncadd.s32 $0xFFFFFFFF  }
0xb5: {  	_ =	strace $0x90000048  }
0xb6: {  	_ =	sfence  }
0xb7: {  	s30 =	sld [smem:$0x0];
	_ =	sdelay $0x2  }
0xb8: {  	s31 =	sshll.u32 s1, $0xD;
	s1 =	sshrl.u32 s1, $0x2  }
0xb9: {  	s3 =	sand.u32 $0x4000, s31;
	s1 =	sadd.s32 s1, s30  }
0xba: {  	s0 =	sor.u32 s3, s0;
	s1 =	sshll.u32 s1, $0x11  }
0xbb: {  	s0 =	sor.u32 s1, s0  }
0xbc: {  	s0 =	sadd.s32 $0x8F2B, s0  }
0xbd: {  	[sflag:s0] =	ssyncadd.remote.s32 $0x1  }
0xbe: {  	_ =	sfence.sel $0xFFFF  }
0xbf: {  	[dreg:$0x0] =	wrdreg $0xFFFFFFFF;
	(pc) =	sbr.abs _section_cstart, $3  }
0xc0: {  	[dreg:$0x1] =	wrdreg $0xFFFFFFFF  }
0xc1: {  	_ =	task.clear_ibuf [dreg:s6], $0x2FFFF;
	_ =	strace $0x9FFFFFFF  }
0xc2: {  	(tm) =	ssettm $0x7FFFFFFF  }
0xc3: {  	_ =	shalt  }
tec
execute0_lowered:
.L_overlay_start_1:
0x0: {  	(tag) =	ssettag $0x1  }
0x1: {  	s5 =	rddreg [dreg:$0x0]  }
0x2: {  	s1 =	rddreg [dreg:$0x1]  }
0x3: {  	s2 =	srdreg.scid;
	s0 =	rddreg [dreg:$0x2]  }
0x4: {  	s3 =	simm.s32 $0x0;
	s4 =	sand.u32 $0x1, s2;
	s2 =	stileid.u32  }
0x5: {  	s13 =	simm.s32 $0x80;
	s14 =	simm.s32 $0x2800;
	s7 =	smul.u32 $0x4F000, s2  }
0x6: {  	[smem:$0x7FF] =	sst s3;
	s6 =	sshll.u32 s4, $0x4;
	s8 =	smul.u32 $0x27800, s4  }
0x7: {  	_ =	strace $0x80000047;
	s9 =	ssub.s32 $0x2, s4;
	s16 =	smul.u32 $0x2780, s2  }
0x8: {  	s17 =	sshll.u32 s2, $0x6;
	s6 =	sor.u32 s2, s6;
	s31 =	sshrl.u32 s9, $0x1  }
0x9: {  	s6 =	smul.u32 $0x500, s6;
	s30 =	sshrl.u32 s7, $0x2;
	s11 =	sadd.s32 s8, s5  }
0xa: {  	s12 =	ssub.s32 s9, s31;
	s4 =	sadd.s32 s30, s1;
	s15 =	sadd.s32 $0xBA00, s11  }
0xb: {  	s11 =	simm.s32 $0x6800;
	s10 =	sadd.s32 s6, s5;
	s5 =	sadd.s32 $0x4000, s4  }
0xc: {  	s6 =	sadd.s32 $0x8000, s4;
	s7 =	sadd.s32 $0xC000, s4;
	s8 =	sadd.s32 $0x10000, s4  }
0xd: {  	s15 =	sadd.s32 s16, s15;
	s16 =	sor.u32 $0x1C01, s17;
	s17 =	sshrl.u32 s4, $0x3  }
0xe: {  	v0 =	vimm.f32 $1.000000000e+00;
	v1 =	vimm.f32 $0.0e+00;
	s9 =	sadd.s32 $0x1A00, s10;
	s10 =	smax.u32 s12, $0x1;
	s12 =	simm.s32 $0x1  }
.LBB2_1:
0xf: {  	s18 =	simm.s32 $0x0  }
.LBB2_2:
0x10: {  	p0 =	sne.s32 s18, $0xFE00  }
.Ltmp0:
0x11: {  	_ = 	snop;
	(pc) =	sbr.rel @p0 .LBB2_2-.Ltmp0, $3  }
0x12: {  	_ =	sdelay $0x1  }
0x13: {  	s19 =	sshra.s32 s18, $0x2  }
0x14: {  	s18 =	sadd.s32 $0x200, s18;
	[tilespmem:s19+$0x2800] =	vst v0  }
0x15: {  	s18 =	simm.s32 $0x200;
	s19 =	simm.s32 $0x0  }
.LBB2_4:
0x16: {  	p0 =	sne.s32 s18, $0xFE00;
	[tilespmem:s19+$0x6800] =	vst v1;
	s19 =	smov.u32 s18;
	s18 =	sadd.s32 $0x200, s18  }
.Ltmp1:
0x17: {  	(pc) =	sbr.rel @p0 .LBB2_4-.Ltmp1, $2  }
0x18: {  	_ =	sdelay $0x2  }
0x19: {  	s19 =	sshra.s32 s19, $0x2  }
0x1a: {  	[tilespmem:s19+$0x6800] =	vst v1  }
0x1b: {  	[spmem:s4] =	stream.linear.scatter [tilespmem:s11], [sflag:$0x1], $0x4000, $0x38;
	[tilespmem:$0xCF80] =	vst v63  }
0x1c: {  	_ =	swait.ge [sflag:s12], $0x4000  }
0x1d: {  	[sflag:s12] =	ssyncset.done $0x0  }
0x1e: {  	[sflag:s12] =	ssyncadd.s32 $0xFFFFC000  }
0x1f: {  	[spmem:s5] =	stream.linear.scatter [tilespmem:s11], [sflag:$0x1], $0x4000, $0x38;
	[tilespmem:$0xCF80] =	vst v63  }
0x20: {  	_ =	swait.ge [sflag:s12], $0x4000  }
0x21: {  	[sflag:s12] =	ssyncset.done $0x0  }
0x22: {  	[sflag:s12] =	ssyncadd.s32 $0xFFFFC000  }
0x23: {  	[spmem:s6] =	stream.linear.scatter [tilespmem:s11], [sflag:$0x1], $0x4000, $0x38;
	[tilespmem:$0xCF80] =	vst v63  }
0x24: {  	_ =	swait.ge [sflag:s12], $0x4000  }
0x25: {  	[sflag:s12] =	ssyncset.done $0x0  }
0x26: {  	[sflag:s12] =	ssyncadd.s32 $0xFFFFC000  }
0x27: {  	[spmem:s7] =	stream.linear.scatter [tilespmem:s11], [sflag:$0x1], $0x4000, $0x38;
	[tilespmem:$0xCF80] =	vst v63  }
0x28: {  	_ =	swait.ge [sflag:s12], $0x4000  }
0x29: {  	[sflag:s12] =	ssyncset.done $0x0  }
0x2a: {  	[sflag:s12] =	ssyncadd.s32 $0xFFFFC000  }
0x2b: {  	[spmem:s8] =	stream.linear.scatter [tilespmem:s11], [sflag:$0x1], $0x3C00, $0x38;
	[tilespmem:$0xCF80] =	vst v63  }
0x2c: {  	_ =	swait.ge [sflag:s12], $0x3C00  }
0x2d: {  	[sflag:s12] =	ssyncset.done $0x0  }
0x2e: {  	[sflag:s12] =	ssyncadd.s32 $0xFFFFC400  }
0x2f: {  	s18 =	simm.s32 $0x0;
	[bflag:$0x0] =	sbarrier.arrive $0xFFFF  }
0x30: {  	[tilespmem:s18], [sflag:$0x1] =	stream.linear.gather [hbm4b:s9+s18], $0x2780, $0x38;
	[tilespmem:$0xCF80] =	vst v63  }
0x31: {  	_ =	swait.ge [sflag:s12], $0x2780  }
0x32: {  	[sflag:s12] =	ssyncset.done $0x0  }
0x33: {  	s31 =	simm.s32 $0x0;
	[sflag:s12] =	ssyncadd.s32 $0xFFFFD880  }
0x34: {  	[spmem:s1] =	stream.indirect.scatter.add.f32 [tilespmem:s14], [sflag:$0x1], $0x10, s31, s13, $0xb8;
	[tilespmem:$0xCF80] =	vst v63  }
0x35: {  	_ =	swait.ge [sflag:s12], $0x800  }
0x36: {  	s18 =	simm.s32 $0x200;
	[sflag:s12] =	ssyncset.done $0x0  }
.LBB2_6:
0x37: {  	s19 =	sshra.s32 s18, $0x2;
	[sflag:s12] =	ssyncadd.s32 $0xFFFFF800;
	p0 =	sne.s32 s18, $0x9C00  }
0x38: {  	[spmem:s1] =	stream.indirect.scatter.add.f32 [tilespmem:s14], [sflag:$0x1], $0x10, s19, s13, $0xb8;
	[tilespmem:$0xCF80] =	vst v63  }
.Ltmp2:
0x39: {  	_ = 	snop;
	(pc) =	sbr.rel @p0 .LBB2_6-.Ltmp2, $4  }
0x3a: {  	_ = 	snop  }
0x3b: {  	s18 =	sadd.s32 $0x200, s18  }
0x3c: {  	_ =	swait.ge [sflag:s12], $0x800  }
0x3d: {  	[sflag:s12] =	ssyncset.done $0x0  }
0x3e: {  	s3 =	sadd.s32 $0x1, s3  }
0x3f: {  	[sflag:s12] =	ssyncadd.s32 $0xFFFFF800;
	p0 =	sne.s32 s3, s10  }
.Ltmp3:
0x40: {  	[bflag:$0x0] =	sbarrier.arrive $0xFFFF;
	(pc) =	sbr.rel @p0 .LBB2_1-.Ltmp3, $4  }
0x41: {  	[hbm:s15], [sflag:s16] =	dma.local [spmem:s17], $0x2780  }
0x42: {  	_ =	swait.ge [sflag:s12], $0x2780  }
0x43: {  	[sflag:s12] =	ssyncset.done $0x0  }
0x44: {  	[sflag:s12] =	ssyncadd.s32 $0xFFFFD880  }
0x45: {  	_ =	sfence.sel $0x180000  }
0x46: {  	[bflag:$0x0] =	sbarrier.arrive $0xFFFF  }
0x47: {  	p0 =	sne.s32 s2, $0x0;
	_ =	strace $0x90000047  }
0x48: {  	s0 =	sadd.s32 @!p0 $0x100000, s0;
	[bflag:$0x2] =	sbarrier.arrive $0xFFFF  }
0x49: {  	[sflag:s0] =	ssyncadd.tile.s32 @!p0 $0x1;
	_ =	shalt  }
.Lfunc_end2:
_tile_overlayer_lowered:
.L_overlay_start_2:
0x4a: {  	(tag) =	ssettag $0x2  }
0x4b: {  	s0 =	rddreg [dreg:$0x0];
	s2 =	stileid.u32  }
0x4c: {  	s1 =	rddreg [dreg:$0x1];
	p0 =	sne.s32 s2, $0x0  }
0x4d: {  	s3 =	rddreg [dreg:$0x2];
	[bflag:$0x3] =	sbarrier.arrive $0xFFFF;
	s2 =	simm.s32 @!p0 $0x1C01  }
0x4e: {  	[timem:s3], [sflag:s2] =	dma.local @!p0 [hbm:s0], s1  }
0x4f: {  	s0 =	simm.s32 @!p0 $0x1  }
0x50: {  	_ =	swait.ge @!p0 [sflag:s0], s1  }
0x51: {  	s1 =	ssub.s32 @!p0 $0x0, s1;
	[sflag:s0] =	ssyncset.done @!p0 $0x0  }
0x52: {  	[sflag:s0] =	ssyncadd.s32 @!p0 s1  }
0x53: {  	[bflag:$0x3] =	sbarrier.arrive $0xFFFF  }
0x54: {  	_ =	shalt  }

</sc_bundles>
